<compile_context>
chip_gen: v7x
topology: tpu7x:2x2x1
jax: 0.10.2.dev20260603
libtpu: 0.0.44.dev20260713+nightly
codegen_flags: <defaults>
</compile_context>

<pallas_src>
import jax
import jax.numpy as jnp
from jax import lax
from jax.experimental import pallas as pl
from jax.experimental.pallas import tpu as pltpu
from jax.experimental.pallas import tpu_sc as plsc

_MARGIN = 2.0
_BATCH = 4096
_DIM = 128

_NC = 2
_NS = 16
_NW = _NC * _NS
_BPW = _BATCH // _NW
_LANES = 16

_TAKE_DNUMS = lax.GatherDimensionNumbers(
    offset_dims=(), collapsed_slice_dims=(0,), start_index_map=(0,))


def _take16(v, idx):
    return lax.gather(v, idx[:, None], _TAKE_DNUMS, slice_sizes=(1,),
                      mode=lax.GatherScatterMode.PROMISE_IN_BOUNDS)


def _row_l1(av, bv, cv, i):
    def ck(d, acc):
        s0 = pl.ds(d * 2 * _LANES, _LANES)
        s1 = pl.ds(d * 2 * _LANES + _LANES, _LANES)
        a0 = jnp.abs(av[i, s0] + bv[i, s0] - cv[i, s0])
        a1 = jnp.abs(av[i, s1] + bv[i, s1] - cv[i, s1])
        return acc + (a0 + a1)
    return lax.fori_loop(0, _DIM // (2 * _LANES), ck,
                         jnp.zeros((_LANES,), jnp.float32))


def _sc_partials(ent_hbm, rel_hbm,
                 ph_hbm, pt_hbm, pr_hbm, nh_hbm, nt_hbm, nr_hbm,
                 out_hbm,
                 ph_v, pt_v, pr_v, nh_v, nt_v, nr_v,
                 h_v, t_v, r_v, hn_v, tn_v, rn_v,
                 dpos_v, res_v, sem_i, sem_p, sem_n):
    wid = lax.axis_index("s") * _NC + lax.axis_index("c")
    base = wid * _BPW
    sl = pl.ds(base, _BPW)

    i1 = pltpu.async_copy(ph_hbm.at[sl], ph_v, sem_i)
    i2 = pltpu.async_copy(pt_hbm.at[sl], pt_v, sem_i)
    i3 = pltpu.async_copy(pr_hbm.at[sl], pr_v, sem_i)
    i4 = pltpu.async_copy(nh_hbm.at[sl], nh_v, sem_i)
    i5 = pltpu.async_copy(nt_hbm.at[sl], nt_v, sem_i)
    i6 = pltpu.async_copy(nr_hbm.at[sl], nr_v, sem_i)
    i1.wait(); i2.wait(); i3.wait()
    c1 = pltpu.async_copy(ent_hbm.at[ph_v], h_v, sem_p)
    c2 = pltpu.async_copy(ent_hbm.at[pt_v], t_v, sem_p)
    c3 = pltpu.async_copy(rel_hbm.at[pr_v], r_v, sem_p)
    i4.wait(); i5.wait(); i6.wait()
    c4 = pltpu.async_copy(ent_hbm.at[nh_v], hn_v, sem_n)
    c5 = pltpu.async_copy(ent_hbm.at[nt_v], tn_v, sem_n)
    c6 = pltpu.async_copy(rel_hbm.at[nr_v], rn_v, sem_n)

    lane = lax.iota(jnp.int32, _LANES)
    rot8 = (lane + 8) % _LANES
    half_rots = [(lane & 8) | ((lane + s) & 7) for s in (4, 2, 1)]
    low_half = lane < 8
    lane08 = (lane & 7) == 0

    c1.wait(); c2.wait(); c3.wait()

    def pos_body(i, carry):
        dpos_v[i, :] = _row_l1(h_v, r_v, t_v, i)
        return carry

    lax.fori_loop(0, _BPW, pos_body, jnp.int32(0))

    c4.wait(); c5.wait(); c6.wait()

    def neg_body(k, loss_vec):
        i = k * 2
        a = dpos_v[i, :] - _row_l1(hn_v, rn_v, tn_v, i)
        b = dpos_v[i + 1, :] - _row_l1(hn_v, rn_v, tn_v, i + 1)
        a2 = a + _take16(a, rot8)
        b2 = b + _take16(b, rot8)
        m = jnp.where(low_half, a2, b2)
        for r in half_rots:
            m = m + _take16(m, r)
        contrib = jnp.maximum(_MARGIN + m, 0.0)
        return loss_vec + jnp.where(lane08, contrib, 0.0)

    loss_vec = lax.fori_loop(0, _BPW // 2, neg_body,
                             jnp.zeros((_LANES,), jnp.float32))

    res_v[...] = loss_vec
    pltpu.sync_copy(res_v, out_hbm.at[wid // 8, pl.ds((wid % 8) * _LANES,
                                                      _LANES)])


@jax.jit
def kernel(entity_vec, relation_vec, pos_h, pos_t, pos_r, neg_h, neg_t, neg_r):
    mesh = plsc.VectorSubcoreMesh(core_axis_name="c", subcore_axis_name="s")
    partials = pl.kernel(
        _sc_partials,
        out_type=jax.ShapeDtypeStruct((_NW // 8, 8 * _LANES), jnp.float32),
        mesh=mesh,
        scratch_types=[
            pltpu.VMEM((_BPW,), jnp.int32),
            pltpu.VMEM((_BPW,), jnp.int32),
            pltpu.VMEM((_BPW,), jnp.int32),
            pltpu.VMEM((_BPW,), jnp.int32),
            pltpu.VMEM((_BPW,), jnp.int32),
            pltpu.VMEM((_BPW,), jnp.int32),
            pltpu.VMEM((_BPW, _DIM), jnp.float32),
            pltpu.VMEM((_BPW, _DIM), jnp.float32),
            pltpu.VMEM((_BPW, _DIM), jnp.float32),
            pltpu.VMEM((_BPW, _DIM), jnp.float32),
            pltpu.VMEM((_BPW, _DIM), jnp.float32),
            pltpu.VMEM((_BPW, _DIM), jnp.float32),
            pltpu.VMEM((_BPW, _LANES), jnp.float32),
            pltpu.VMEM((_LANES,), jnp.float32),
            pltpu.SemaphoreType.DMA,
            pltpu.SemaphoreType.DMA,
            pltpu.SemaphoreType.DMA,
        ],
    )(entity_vec, relation_vec, pos_h, pos_t, pos_r, neg_h, neg_t, neg_r)

    def _finish(p_ref, o_ref):
        o_ref[0, 0] = jnp.sum(p_ref[...])

    loss = pl.pallas_call(
        _finish,
        out_shape=jax.ShapeDtypeStruct((1, 1), jnp.float32),
        in_specs=[pl.BlockSpec(memory_space=pltpu.VMEM)],
        out_specs=pl.BlockSpec(memory_space=pltpu.SMEM),
    )(partials)
    return loss[0, 0]

# --- scband reference (transcript-rebuilt; emitter-appended) ---
"""Pipeline reference for scband-trans-e-10754598109336 (READ-ONLY COPY).

The authoritative reference and input builder live on the scoring server;
editing this copy changes nothing except your own understanding.
"""

import jax, jax.numpy as jnp
import numpy as np

N_ENTITY = 100000
N_RELATION = 1000
EMBED_DIM = 128
BATCH = 4096
MARGIN = 2.0


def setup_inputs(seed: int = 0) -> dict:
    key = jax.random.key(seed)
    ks = jax.random.split(key, 8)
    bound = 1.0 / np.sqrt(EMBED_DIM)
    entity_vec = jax.random.uniform(ks[0], (N_ENTITY, EMBED_DIM), minval=-bound, maxval=bound, dtype=jnp.float32)
    relation_vec = jax.random.uniform(ks[1], (N_RELATION, EMBED_DIM), minval=-bound, maxval=bound, dtype=jnp.float32)
    pos_h = jax.random.randint(ks[2], (BATCH,), 0, N_ENTITY, dtype=jnp.int32)
    pos_t = jax.random.randint(ks[3], (BATCH,), 0, N_ENTITY, dtype=jnp.int32)
    pos_r = jax.random.randint(ks[4], (BATCH,), 0, N_RELATION, dtype=jnp.int32)
    neg_h = jax.random.randint(ks[5], (BATCH,), 0, N_ENTITY, dtype=jnp.int32)
    neg_t = jax.random.randint(ks[6], (BATCH,), 0, N_ENTITY, dtype=jnp.int32)
    neg_r = jax.random.randint(ks[7], (BATCH,), 0, N_RELATION, dtype=jnp.int32)
    return {
        "entity_vec": entity_vec,
        "relation_vec": relation_vec,
        "pos_h": pos_h,
        "pos_t": pos_t,
        "pos_r": pos_r,
        "neg_h": neg_h,
        "neg_t": neg_t,
        "neg_r": neg_r,
    }


def reference(entity_vec, relation_vec, pos_h, pos_t, pos_r, neg_h, neg_t, neg_r):
    # TransE forward: gather embeddings for positive and corrupted triples,
    # L1 translation distance d(h,r,t) = ||h + r - t||_1, margin ranking loss.
    h = jnp.take(entity_vec, pos_h, axis=0)
    t = jnp.take(entity_vec, pos_t, axis=0)
    r = jnp.take(relation_vec, pos_r, axis=0)
    hn = jnp.take(entity_vec, neg_h, axis=0)
    tn = jnp.take(entity_vec, neg_t, axis=0)
    rn = jnp.take(relation_vec, neg_r, axis=0)
    d_pos = jnp.sum(jnp.abs(h + r - t), axis=1)
    d_neg = jnp.sum(jnp.abs(hn + rn - tn), axis=1)
    loss = jnp.sum(jax.nn.relu(MARGIN + d_pos - d_neg))
    return loss

if __name__ == "__main__":
    import jax
    _d = setup_inputs()
    print(jax.jit(kernel)(*tuple(_d.values())))

</pallas_src>

<mosaic_0001>
#map = affine_map<(d0, d1) -> (0, 0)>
#map1 = affine_map<(d0, d1) -> (0)>
module attributes {stable_mosaic.version = 14 : i64} {
  func.func @_sc_partials(%arg0: i32, %arg1: i32, %arg2: memref<100000x128xf32, #tpu.memory_space<hbm>>, %arg3: memref<1000x128xf32, #tpu.memory_space<hbm>>, %arg4: memref<4096xi32, #tpu.memory_space<hbm>>, %arg5: memref<4096xi32, #tpu.memory_space<hbm>>, %arg6: memref<4096xi32, #tpu.memory_space<hbm>>, %arg7: memref<4096xi32, #tpu.memory_space<hbm>>, %arg8: memref<4096xi32, #tpu.memory_space<hbm>>, %arg9: memref<4096xi32, #tpu.memory_space<hbm>>, %arg10: memref<4x128xf32, #tpu.memory_space<hbm>>, %arg11: memref<128xi32, #tpu.memory_space<vmem>>, %arg12: memref<128xi32, #tpu.memory_space<vmem>>, %arg13: memref<128xi32, #tpu.memory_space<vmem>>, %arg14: memref<128xi32, #tpu.memory_space<vmem>>, %arg15: memref<128xi32, #tpu.memory_space<vmem>>, %arg16: memref<128xi32, #tpu.memory_space<vmem>>, %arg17: memref<128x128xf32, #tpu.memory_space<vmem>>, %arg18: memref<128x128xf32, #tpu.memory_space<vmem>>, %arg19: memref<128x128xf32, #tpu.memory_space<vmem>>, %arg20: memref<128x128xf32, #tpu.memory_space<vmem>>, %arg21: memref<128x128xf32, #tpu.memory_space<vmem>>, %arg22: memref<128x128xf32, #tpu.memory_space<vmem>>, %arg23: memref<128x16xf32, #tpu.memory_space<vmem>>, %arg24: memref<16xf32, #tpu.memory_space<vmem>>, %arg25: memref<!tpu.dma_semaphore, #tpu.memory_space<semaphore_mem>>, %arg26: memref<!tpu.dma_semaphore, #tpu.memory_space<semaphore_mem>>, %arg27: memref<!tpu.dma_semaphore, #tpu.memory_space<semaphore_mem>>) attributes {dimension_semantics = [#tpu.dimension_semantics<core_parallel>, #tpu.dimension_semantics<subcore_parallel>], iteration_bounds = array<i64: 2, 16>, scalar_prefetch = 0 : i64, scratch_operands = 17 : i64, tpu.core_type = #tpu.core_type<sc_vector_subcore>, window_params = [{transform_indices = #map}, {transform_indices = #map}, {transform_indices = #map1}, {transform_indices = #map1}, {transform_indices = #map1}, {transform_indices = #map1}, {transform_indices = #map1}, {transform_indices = #map1}, {transform_indices = #map}]} {
    %mul3A = arith.constant 2 : i32
    %mul3A_0 = arith.muli %arg1, %mul3A : i32
    %add3A = arith.addi %mul3A_0, %arg0 : i32
    %mul3A_1 = arith.constant 128 : i32
    %mul3A_2 = arith.muli %add3A, %mul3A_1 : i32
    %dma_start3A = tpu.memref_slice %arg4[%mul3A_2] : memref<4096xi32, #tpu.memory_space<hbm>> -> memref<128xi32, #tpu.memory_space<hbm>>
    %dma_start3A_3 = tpu.memref_slice %arg4[%mul3A_2] : memref<4096xi32, #tpu.memory_space<hbm>> -> memref<128xi32, #tpu.memory_space<hbm>>
    tpu.enqueue_dma source(%dma_start3A_3 : memref<128xi32, #tpu.memory_space<hbm>>) target(%arg11 : memref<128xi32, #tpu.memory_space<vmem>>) target_semaphore(%arg25 : memref<!tpu.dma_semaphore, #tpu.memory_space<semaphore_mem>>)
    %dma_start3A_4 = tpu.memref_slice %arg5[%mul3A_2] : memref<4096xi32, #tpu.memory_space<hbm>> -> memref<128xi32, #tpu.memory_space<hbm>>
    %dma_start3A_5 = tpu.memref_slice %arg5[%mul3A_2] : memref<4096xi32, #tpu.memory_space<hbm>> -> memref<128xi32, #tpu.memory_space<hbm>>
    tpu.enqueue_dma source(%dma_start3A_5 : memref<128xi32, #tpu.memory_space<hbm>>) target(%arg12 : memref<128xi32, #tpu.memory_space<vmem>>) target_semaphore(%arg25 : memref<!tpu.dma_semaphore, #tpu.memory_space<semaphore_mem>>)
    %dma_start3A_6 = tpu.memref_slice %arg6[%mul3A_2] : memref<4096xi32, #tpu.memory_space<hbm>> -> memref<128xi32, #tpu.memory_space<hbm>>
    %dma_start3A_7 = tpu.memref_slice %arg6[%mul3A_2] : memref<4096xi32, #tpu.memory_space<hbm>> -> memref<128xi32, #tpu.memory_space<hbm>>
    tpu.enqueue_dma source(%dma_start3A_7 : memref<128xi32, #tpu.memory_space<hbm>>) target(%arg13 : memref<128xi32, #tpu.memory_space<vmem>>) target_semaphore(%arg25 : memref<!tpu.dma_semaphore, #tpu.memory_space<semaphore_mem>>)
    %dma_start3A_8 = tpu.memref_slice %arg7[%mul3A_2] : memref<4096xi32, #tpu.memory_space<hbm>> -> memref<128xi32, #tpu.memory_space<hbm>>
    %dma_start3A_9 = tpu.memref_slice %arg7[%mul3A_2] : memref<4096xi32, #tpu.memory_space<hbm>> -> memref<128xi32, #tpu.memory_space<hbm>>
    tpu.enqueue_dma source(%dma_start3A_9 : memref<128xi32, #tpu.memory_space<hbm>>) target(%arg14 : memref<128xi32, #tpu.memory_space<vmem>>) target_semaphore(%arg25 : memref<!tpu.dma_semaphore, #tpu.memory_space<semaphore_mem>>)
    %dma_start3A_10 = tpu.memref_slice %arg8[%mul3A_2] : memref<4096xi32, #tpu.memory_space<hbm>> -> memref<128xi32, #tpu.memory_space<hbm>>
    %dma_start3A_11 = tpu.memref_slice %arg8[%mul3A_2] : memref<4096xi32, #tpu.memory_space<hbm>> -> memref<128xi32, #tpu.memory_space<hbm>>
    tpu.enqueue_dma source(%dma_start3A_11 : memref<128xi32, #tpu.memory_space<hbm>>) target(%arg15 : memref<128xi32, #tpu.memory_space<vmem>>) target_semaphore(%arg25 : memref<!tpu.dma_semaphore, #tpu.memory_space<semaphore_mem>>)
    %dma_start3A_12 = tpu.memref_slice %arg9[%mul3A_2] : memref<4096xi32, #tpu.memory_space<hbm>> -> memref<128xi32, #tpu.memory_space<hbm>>
    %dma_start3A_13 = tpu.memref_slice %arg9[%mul3A_2] : memref<4096xi32, #tpu.memory_space<hbm>> -> memref<128xi32, #tpu.memory_space<hbm>>
    tpu.enqueue_dma source(%dma_start3A_13 : memref<128xi32, #tpu.memory_space<hbm>>) target(%arg16 : memref<128xi32, #tpu.memory_space<vmem>>) target_semaphore(%arg25 : memref<!tpu.dma_semaphore, #tpu.memory_space<semaphore_mem>>)
    %dma_wait3A = tpu.memref_slice %arg4[%mul3A_2] : memref<4096xi32, #tpu.memory_space<hbm>> -> memref<128xi32, #tpu.memory_space<hbm>>
    %dma_wait3A_14 = tpu.memref_slice %arg4[%mul3A_2] : memref<4096xi32, #tpu.memory_space<hbm>> -> memref<128xi32, #tpu.memory_space<hbm>>
    tpu.wait_dma2 semaphore(%arg25 : memref<!tpu.dma_semaphore, #tpu.memory_space<semaphore_mem>>) src(%dma_wait3A_14 : memref<128xi32, #tpu.memory_space<hbm>>) dst(%arg11 : memref<128xi32, #tpu.memory_space<vmem>>)
    %dma_wait3A_15 = tpu.memref_slice %arg5[%mul3A_2] : memref<4096xi32, #tpu.memory_space<hbm>> -> memref<128xi32, #tpu.memory_space<hbm>>
    %dma_wait3A_16 = tpu.memref_slice %arg5[%mul3A_2] : memref<4096xi32, #tpu.memory_space<hbm>> -> memref<128xi32, #tpu.memory_space<hbm>>
    tpu.wait_dma2 semaphore(%arg25 : memref<!tpu.dma_semaphore, #tpu.memory_space<semaphore_mem>>) src(%dma_wait3A_16 : memref<128xi32, #tpu.memory_space<hbm>>) dst(%arg12 : memref<128xi32, #tpu.memory_space<vmem>>)
    %dma_wait3A_17 = tpu.memref_slice %arg6[%mul3A_2] : memref<4096xi32, #tpu.memory_space<hbm>> -> memref<128xi32, #tpu.memory_space<hbm>>
    %dma_wait3A_18 = tpu.memref_slice %arg6[%mul3A_2] : memref<4096xi32, #tpu.memory_space<hbm>> -> memref<128xi32, #tpu.memory_space<hbm>>
    tpu.wait_dma2 semaphore(%arg25 : memref<!tpu.dma_semaphore, #tpu.memory_space<semaphore_mem>>) src(%dma_wait3A_18 : memref<128xi32, #tpu.memory_space<hbm>>) dst(%arg13 : memref<128xi32, #tpu.memory_space<vmem>>)
    %dma_start3A_19 = arith.constant 0 : i32
    %dma_start3A_20 = arith.constant 0 : i32
    %dma_start3A_21 = tpu.memref_slice %arg2[%dma_start3A_19, %dma_start3A_20] : memref<100000x128xf32, #tpu.memory_space<hbm>> -> memref<100000x128xf32, #tpu.memory_space<hbm>>
    tpu.enqueue_indirect_dma source(%dma_start3A_21 : memref<100000x128xf32, #tpu.memory_space<hbm>>) target(%arg17 : memref<128x128xf32, #tpu.memory_space<vmem>>) offsets(%arg11 : memref<128xi32, #tpu.memory_space<vmem>>) semaphore(%arg26 : memref<!tpu.dma_semaphore, #tpu.memory_space<semaphore_mem>>)
    %dma_start3A_22 = arith.constant 0 : i32
    %dma_start3A_23 = arith.constant 0 : i32
    %dma_start3A_24 = tpu.memref_slice %arg2[%dma_start3A_22, %dma_start3A_23] : memref<100000x128xf32, #tpu.memory_space<hbm>> -> memref<100000x128xf32, #tpu.memory_space<hbm>>
    tpu.enqueue_indirect_dma source(%dma_start3A_24 : memref<100000x128xf32, #tpu.memory_space<hbm>>) target(%arg18 : memref<128x128xf32, #tpu.memory_space<vmem>>) offsets(%arg12 : memref<128xi32, #tpu.memory_space<vmem>>) semaphore(%arg26 : memref<!tpu.dma_semaphore, #tpu.memory_space<semaphore_mem>>)
    %dma_start3A_25 = arith.constant 0 : i32
    %dma_start3A_26 = arith.constant 0 : i32
    %dma_start3A_27 = tpu.memref_slice %arg3[%dma_start3A_25, %dma_start3A_26] : memref<1000x128xf32, #tpu.memory_space<hbm>> -> memref<1000x128xf32, #tpu.memory_space<hbm>>
    tpu.enqueue_indirect_dma source(%dma_start3A_27 : memref<1000x128xf32, #tpu.memory_space<hbm>>) target(%arg19 : memref<128x128xf32, #tpu.memory_space<vmem>>) offsets(%arg13 : memref<128xi32, #tpu.memory_space<vmem>>) semaphore(%arg26 : memref<!tpu.dma_semaphore, #tpu.memory_space<semaphore_mem>>)
    %dma_wait3A_28 = tpu.memref_slice %arg7[%mul3A_2] : memref<4096xi32, #tpu.memory_space<hbm>> -> memref<128xi32, #tpu.memory_space<hbm>>
    %dma_wait3A_29 = tpu.memref_slice %arg7[%mul3A_2] : memref<4096xi32, #tpu.memory_space<hbm>> -> memref<128xi32, #tpu.memory_space<hbm>>
    tpu.wait_dma2 semaphore(%arg25 : memref<!tpu.dma_semaphore, #tpu.memory_space<semaphore_mem>>) src(%dma_wait3A_29 : memref<128xi32, #tpu.memory_space<hbm>>) dst(%arg14 : memref<128xi32, #tpu.memory_space<vmem>>)
    %dma_wait3A_30 = tpu.memref_slice %arg8[%mul3A_2] : memref<4096xi32, #tpu.memory_space<hbm>> -> memref<128xi32, #tpu.memory_space<hbm>>
    %dma_wait3A_31 = tpu.memref_slice %arg8[%mul3A_2] : memref<4096xi32, #tpu.memory_space<hbm>> -> memref<128xi32, #tpu.memory_space<hbm>>
    tpu.wait_dma2 semaphore(%arg25 : memref<!tpu.dma_semaphore, #tpu.memory_space<semaphore_mem>>) src(%dma_wait3A_31 : memref<128xi32, #tpu.memory_space<hbm>>) dst(%arg15 : memref<128xi32, #tpu.memory_space<vmem>>)
    %dma_wait3A_32 = tpu.memref_slice %arg9[%mul3A_2] : memref<4096xi32, #tpu.memory_space<hbm>> -> memref<128xi32, #tpu.memory_space<hbm>>
    %dma_wait3A_33 = tpu.memref_slice %arg9[%mul3A_2] : memref<4096xi32, #tpu.memory_space<hbm>> -> memref<128xi32, #tpu.memory_space<hbm>>
    tpu.wait_dma2 semaphore(%arg25 : memref<!tpu.dma_semaphore, #tpu.memory_space<semaphore_mem>>) src(%dma_wait3A_33 : memref<128xi32, #tpu.memory_space<hbm>>) dst(%arg16 : memref<128xi32, #tpu.memory_space<vmem>>)
    %dma_start3A_34 = arith.constant 0 : i32
    %dma_start3A_35 = arith.constant 0 : i32
    %dma_start3A_36 = tpu.memref_slice %arg2[%dma_start3A_34, %dma_start3A_35] : memref<100000x128xf32, #tpu.memory_space<hbm>> -> memref<100000x128xf32, #tpu.memory_space<hbm>>
    tpu.enqueue_indirect_dma source(%dma_start3A_36 : memref<100000x128xf32, #tpu.memory_space<hbm>>) target(%arg20 : memref<128x128xf32, #tpu.memory_space<vmem>>) offsets(%arg14 : memref<128xi32, #tpu.memory_space<vmem>>) semaphore(%arg27 : memref<!tpu.dma_semaphore, #tpu.memory_space<semaphore_mem>>)
    %dma_start3A_37 = arith.constant 0 : i32
    %dma_start3A_38 = arith.constant 0 : i32
    %dma_start3A_39 = tpu.memref_slice %arg2[%dma_start3A_37, %dma_start3A_38] : memref<100000x128xf32, #tpu.memory_space<hbm>> -> memref<100000x128xf32, #tpu.memory_space<hbm>>
    tpu.enqueue_indirect_dma source(%dma_start3A_39 : memref<100000x128xf32, #tpu.memory_space<hbm>>) target(%arg21 : memref<128x128xf32, #tpu.memory_space<vmem>>) offsets(%arg15 : memref<128xi32, #tpu.memory_space<vmem>>) semaphore(%arg27 : memref<!tpu.dma_semaphore, #tpu.memory_space<semaphore_mem>>)
    %dma_start3A_40 = arith.constant 0 : i32
    %dma_start3A_41 = arith.constant 0 : i32
    %dma_start3A_42 = tpu.memref_slice %arg3[%dma_start3A_40, %dma_start3A_41] : memref<1000x128xf32, #tpu.memory_space<hbm>> -> memref<1000x128xf32, #tpu.memory_space<hbm>>
    tpu.enqueue_indirect_dma source(%dma_start3A_42 : memref<1000x128xf32, #tpu.memory_space<hbm>>) target(%arg22 : memref<128x128xf32, #tpu.memory_space<vmem>>) offsets(%arg16 : memref<128xi32, #tpu.memory_space<vmem>>) semaphore(%arg27 : memref<!tpu.dma_semaphore, #tpu.memory_space<semaphore_mem>>)
    %iota3A = tpu.iota {dimensions = array<i32: 0>} : vector<16xi32>
    %add3A_43 = arith.constant 8 : i32
    %add3A_44 = vector.broadcast %add3A_43 : i32 to vector<16xi32>
    %add3A_45 = arith.addi %iota3A, %add3A_44 : vector<16xi32>
    %jit3A = arith.constant 16 : i32
    %eq3A = arith.constant 0 : i32
    %eq3A_46 = arith.cmpi eq, %jit3A, %eq3A : i32
    %jit3A_47 = arith.constant 1 : i32
    %select_n3A = arith.select %eq3A_46, %jit3A_47, %jit3A : i32
    %rem3A = vector.broadcast %select_n3A : i32 to vector<16xi32>
    %rem3A_48 = arith.remsi %add3A_45, %rem3A : vector<16xi32>
    %ne3A = arith.constant 0 : i32
    %ne3A_49 = vector.broadcast %ne3A : i32 to vector<16xi32>
    %ne3A_50 = arith.cmpi ne, %rem3A_48, %ne3A_49 : vector<16xi32>
    %lt3A = arith.constant 0 : i32
    %lt3A_51 = vector.broadcast %lt3A : i32 to vector<16xi32>
    %lt3A_52 = arith.cmpi slt, %rem3A_48, %lt3A_51 : vector<16xi32>
    %lt3A_53 = arith.constant 0 : i32
    %lt3A_54 = arith.cmpi slt, %select_n3A, %lt3A_53 : i32
    %ne3A_55 = vector.broadcast %lt3A_54 : i1 to vector<16xi1>
    %ne3A_56 = vector.broadcast %ne3A_55 : vector<16xi1> to vector<16xi1>
    %ne3A_57 = arith.xori %lt3A_52, %ne3A_56 : vector<16xi1>
    %and3A = arith.andi %ne3A_57, %ne3A_50 : vector<16xi1>
    %add3A_58 = vector.broadcast %select_n3A : i32 to vector<16xi32>
    %add3A_59 = arith.addi %rem3A_48, %add3A_58 : vector<16xi32>
    %select_n3A_60 = arith.select %and3A, %add3A_59, %rem3A_48 : vector<16xi1>, vector<16xi32>
    %and3A_61 = arith.constant 8 : i32
    %and3A_62 = vector.broadcast %and3A_61 : i32 to vector<16xi32>
    %and3A_63 = arith.andi %iota3A, %and3A_62 : vector<16xi32>
    %add3A_64 = arith.constant 4 : i32
    %add3A_65 = vector.broadcast %add3A_64 : i32 to vector<16xi32>
    %add3A_66 = arith.addi %iota3A, %add3A_65 : vector<16xi32>
    %and3A_67 = arith.constant 7 : i32
    %and3A_68 = vector.broadcast %and3A_67 : i32 to vector<16xi32>
    %and3A_69 = arith.andi %add3A_66, %and3A_68 : vector<16xi32>
    %or3A = arith.ori %and3A_63, %and3A_69 : vector<16xi32>
    %and3A_70 = arith.constant 8 : i32
    %and3A_71 = vector.broadcast %and3A_70 : i32 to vector<16xi32>
    %and3A_72 = arith.andi %iota3A, %and3A_71 : vector<16xi32>
    %add3A_73 = arith.constant 2 : i32
    %add3A_74 = vector.broadcast %add3A_73 : i32 to vector<16xi32>
    %add3A_75 = arith.addi %iota3A, %add3A_74 : vector<16xi32>
    %and3A_76 = arith.constant 7 : i32
    %and3A_77 = vector.broadcast %and3A_76 : i32 to vector<16xi32>
    %and3A_78 = arith.andi %add3A_75, %and3A_77 : vector<16xi32>
    %or3A_79 = arith.ori %and3A_72, %and3A_78 : vector<16xi32>
    %and3A_80 = arith.constant 8 : i32
    %and3A_81 = vector.broadcast %and3A_80 : i32 to vector<16xi32>
    %and3A_82 = arith.andi %iota3A, %and3A_81 : vector<16xi32>
    %add3A_83 = arith.constant 1 : i32
    %add3A_84 = vector.broadcast %add3A_83 : i32 to vector<16xi32>
    %add3A_85 = arith.addi %iota3A, %add3A_84 : vector<16xi32>
    %and3A_86 = arith.constant 7 : i32
    %and3A_87 = vector.broadcast %and3A_86 : i32 to vector<16xi32>
    %and3A_88 = arith.andi %add3A_85, %and3A_87 : vector<16xi32>
    %or3A_89 = arith.ori %and3A_82, %and3A_88 : vector<16xi32>
    %lt3A_90 = arith.constant 8 : i32
    %lt3A_91 = vector.broadcast %lt3A_90 : i32 to vector<16xi32>
    %lt3A_92 = arith.cmpi slt, %iota3A, %lt3A_91 : vector<16xi32>
    %and3A_93 = arith.constant 7 : i32
    %and3A_94 = vector.broadcast %and3A_93 : i32 to vector<16xi32>
    %and3A_95 = arith.andi %iota3A, %and3A_94 : vector<16xi32>
    %eq3A_96 = arith.constant 0 : i32
    %eq3A_97 = vector.broadcast %eq3A_96 : i32 to vector<16xi32>
    %eq3A_98 = arith.cmpi eq, %and3A_95, %eq3A_97 : vector<16xi32>
    %dma_wait3A_99 = arith.constant 0 : i32
    %dma_wait3A_100 = arith.constant 0 : i32
    %dma_wait3A_101 = tpu.memref_slice %arg2[%dma_wait3A_99, %dma_wait3A_100] : memref<100000x128xf32, #tpu.memory_space<hbm>> -> memref<100000x128xf32, #tpu.memory_space<hbm>>
    tpu.wait_indirect_dma semaphore(%arg26 : memref<!tpu.dma_semaphore, #tpu.memory_space<semaphore_mem>>) src(%dma_wait3A_101 : memref<100000x128xf32, #tpu.memory_space<hbm>>) dst(%arg17 : memref<128x128xf32, #tpu.memory_space<vmem>>)
    %dma_wait3A_102 = arith.constant 0 : i32
    %dma_wait3A_103 = arith.constant 0 : i32
    %dma_wait3A_104 = tpu.memref_slice %arg2[%dma_wait3A_102, %dma_wait3A_103] : memref<100000x128xf32, #tpu.memory_space<hbm>> -> memref<100000x128xf32, #tpu.memory_space<hbm>>
    tpu.wait_indirect_dma semaphore(%arg26 : memref<!tpu.dma_semaphore, #tpu.memory_space<semaphore_mem>>) src(%dma_wait3A_104 : memref<100000x128xf32, #tpu.memory_space<hbm>>) dst(%arg18 : memref<128x128xf32, #tpu.memory_space<vmem>>)
    %dma_wait3A_105 = arith.constant 0 : i32
    %dma_wait3A_106 = arith.constant 0 : i32
    %dma_wait3A_107 = tpu.memref_slice %arg3[%dma_wait3A_105, %dma_wait3A_106] : memref<1000x128xf32, #tpu.memory_space<hbm>> -> memref<1000x128xf32, #tpu.memory_space<hbm>>
    tpu.wait_indirect_dma semaphore(%arg26 : memref<!tpu.dma_semaphore, #tpu.memory_space<semaphore_mem>>) src(%dma_wait3A_107 : memref<1000x128xf32, #tpu.memory_space<hbm>>) dst(%arg19 : memref<128x128xf32, #tpu.memory_space<vmem>>)
    %scan3A = arith.constant 0 : i32
    %scan3A_108 = arith.constant 0 : i32
    %scan3A_109 = arith.constant 128 : i32
    %scan3A_110 = arith.addi %scan3A_108, %scan3A_109 : i32
    %scan3A_111 = arith.constant 1 : i32
    scf.for %scan3A_171 = %scan3A_108 to %scan3A_110 step %scan3A_111  : i32 {
      %broadcast_in_dim3A_172 = arith.constant 0.000000e+00 : f32
      %broadcast_in_dim3A_173 = vector.broadcast %broadcast_in_dim3A_172 : f32 to vector<16xf32>
      %scan3A_174 = arith.constant 0 : i32
      %scan3A_175 = arith.constant 4 : i32
      %scan3A_176 = arith.addi %scan3A_174, %scan3A_175 : i32
      %scan3A_177 = arith.constant 1 : i32
      %scan3A_178 = scf.for %scan3A_185 = %scan3A_174 to %scan3A_176 step %scan3A_177 iter_args(%scan3A_186 = %broadcast_in_dim3A_173) -> (vector<16xf32>)  : i32 {
        %mul3A_187 = arith.constant 2 : i32
        %mul3A_188 = arith.muli %scan3A_185, %mul3A_187 : i32
        %mul3A_189 = arith.constant 16 : i32
        %mul3A_190 = arith.muli %mul3A_188, %mul3A_189 : i32
        %mul3A_191 = arith.constant 2 : i32
        %mul3A_192 = arith.muli %scan3A_185, %mul3A_191 : i32
        %mul3A_193 = arith.constant 16 : i32
        %mul3A_194 = arith.muli %mul3A_192, %mul3A_193 : i32
        %add3A_195 = arith.constant 16 : i32
        %add3A_196 = arith.addi %mul3A_194, %add3A_195 : i32
        %get3A = arith.index_cast %scan3A_171 : i32 to index
        %get3A_197 = arith.index_cast %mul3A_190 : i32 to index
        %get3A_198 = tpu.vector_load %arg17[%get3A, %get3A_197] {strides = array<i32>} : memref<128x128xf32, #tpu.memory_space<vmem>>, vector<1x16xf32>,
        %get3A_199 = vector.shape_cast %get3A_198 : vector<1x16xf32> to vector<16xf32>
        %get3A_200 = arith.index_cast %scan3A_171 : i32 to index
        %get3A_201 = arith.index_cast %mul3A_190 : i32 to index
        %get3A_202 = tpu.vector_load %arg19[%get3A_200, %get3A_201] {strides = array<i32>} : memref<128x128xf32, #tpu.memory_space<vmem>>, vector<1x16xf32>,
        %get3A_203 = vector.shape_cast %get3A_202 : vector<1x16xf32> to vector<16xf32>
        %add3A_204 = arith.addf %get3A_199, %get3A_203 : vector<16xf32>
        %get3A_205 = arith.index_cast %scan3A_171 : i32 to index
        %get3A_206 = arith.index_cast %mul3A_190 : i32 to index
        %get3A_207 = tpu.vector_load %arg18[%get3A_205, %get3A_206] {strides = array<i32>} : memref<128x128xf32, #tpu.memory_space<vmem>>, vector<1x16xf32>,
        %get3A_208 = vector.shape_cast %get3A_207 : vector<1x16xf32> to vector<16xf32>
        %sub3A_209 = arith.subf %add3A_204, %get3A_208 : vector<16xf32>
        %abs3A = math.absf %sub3A_209 : vector<16xf32>
        %get3A_210 = arith.index_cast %scan3A_171 : i32 to index
        %get3A_211 = arith.index_cast %add3A_196 : i32 to index
        %get3A_212 = tpu.vector_load %arg17[%get3A_210, %get3A_211] {strides = array<i32>} : memref<128x128xf32, #tpu.memory_space<vmem>>, vector<1x16xf32>,
        %get3A_213 = vector.shape_cast %get3A_212 : vector<1x16xf32> to vector<16xf32>
        %get3A_214 = arith.index_cast %scan3A_171 : i32 to index
        %get3A_215 = arith.index_cast %add3A_196 : i32 to index
        %get3A_216 = tpu.vector_load %arg19[%get3A_214, %get3A_215] {strides = array<i32>} : memref<128x128xf32, #tpu.memory_space<vmem>>, vector<1x16xf32>,
        %get3A_217 = vector.shape_cast %get3A_216 : vector<1x16xf32> to vector<16xf32>
        %add3A_218 = arith.addf %get3A_213, %get3A_217 : vector<16xf32>
        %get3A_219 = arith.index_cast %scan3A_171 : i32 to index
        %get3A_220 = arith.index_cast %add3A_196 : i32 to index
        %get3A_221 = tpu.vector_load %arg18[%get3A_219, %get3A_220] {strides = array<i32>} : memref<128x128xf32, #tpu.memory_space<vmem>>, vector<1x16xf32>,
        %get3A_222 = vector.shape_cast %get3A_221 : vector<1x16xf32> to vector<16xf32>
        %sub3A_223 = arith.subf %add3A_218, %get3A_222 : vector<16xf32>
        %abs3A_224 = math.absf %sub3A_223 : vector<16xf32>
        %add3A_225 = arith.addf %abs3A, %abs3A_224 : vector<16xf32>
        %add3A_226 = arith.addf %scan3A_186, %add3A_225 : vector<16xf32>
        scf.yield %add3A_226 : vector<16xf32>
      }
      %scan3A_179 = arith.constant 4 : i32
      %swap3A_180 = arith.index_cast %scan3A_171 : i32 to index
      %swap3A_181 = arith.constant 0 : index
      %swap3A_182 = tpu.vector_load %arg23[%swap3A_180, %swap3A_181] {strides = array<i32>} : memref<128x16xf32, #tpu.memory_space<vmem>>, vector<1x16xf32>,
      %swap3A_183 = vector.shape_cast %swap3A_182 : vector<1x16xf32> to vector<16xf32>
      %swap3A_184 = vector.shape_cast %scan3A_178 : vector<16xf32> to vector<1x16xf32>
      tpu.vector_store %arg23[%swap3A_180, %swap3A_181], %swap3A_184 {strides = array<i32>} : memref<128x16xf32, #tpu.memory_space<vmem>>, vector<1x16xf32>,
    }
    %scan3A_112 = arith.constant 128 : i32
    %dma_wait3A_113 = arith.constant 0 : i32
    %dma_wait3A_114 = arith.constant 0 : i32
    %dma_wait3A_115 = tpu.memref_slice %arg2[%dma_wait3A_113, %dma_wait3A_114] : memref<100000x128xf32, #tpu.memory_space<hbm>> -> memref<100000x128xf32, #tpu.memory_space<hbm>>
    tpu.wait_indirect_dma semaphore(%arg27 : memref<!tpu.dma_semaphore, #tpu.memory_space<semaphore_mem>>) src(%dma_wait3A_115 : memref<100000x128xf32, #tpu.memory_space<hbm>>) dst(%arg20 : memref<128x128xf32, #tpu.memory_space<vmem>>)
    %dma_wait3A_116 = arith.constant 0 : i32
    %dma_wait3A_117 = arith.constant 0 : i32
    %dma_wait3A_118 = tpu.memref_slice %arg2[%dma_wait3A_116, %dma_wait3A_117] : memref<100000x128xf32, #tpu.memory_space<hbm>> -> memref<100000x128xf32, #tpu.memory_space<hbm>>
    tpu.wait_indirect_dma semaphore(%arg27 : memref<!tpu.dma_semaphore, #tpu.memory_space<semaphore_mem>>) src(%dma_wait3A_118 : memref<100000x128xf32, #tpu.memory_space<hbm>>) dst(%arg21 : memref<128x128xf32, #tpu.memory_space<vmem>>)
    %dma_wait3A_119 = arith.constant 0 : i32
    %dma_wait3A_120 = arith.constant 0 : i32
    %dma_wait3A_121 = tpu.memref_slice %arg3[%dma_wait3A_119, %dma_wait3A_120] : memref<1000x128xf32, #tpu.memory_space<hbm>> -> memref<1000x128xf32, #tpu.memory_space<hbm>>
    tpu.wait_indirect_dma semaphore(%arg27 : memref<!tpu.dma_semaphore, #tpu.memory_space<semaphore_mem>>) src(%dma_wait3A_121 : memref<1000x128xf32, #tpu.memory_space<hbm>>) dst(%arg22 : memref<128x128xf32, #tpu.memory_space<vmem>>)
    %broadcast_in_dim3A = arith.constant 0.000000e+00 : f32
    %broadcast_in_dim3A_122 = vector.broadcast %broadcast_in_dim3A : f32 to vector<16xf32>
    %scan3A_123 = arith.constant 0 : i32
    %scan3A_124 = arith.constant 64 : i32
    %scan3A_125 = arith.addi %scan3A_123, %scan3A_124 : i32
    %scan3A_126 = arith.constant 1 : i32
    %scan3A_127 = scf.for %scan3A_171 = %scan3A_123 to %scan3A_125 step %scan3A_126 iter_args(%scan3A_172 = %broadcast_in_dim3A_122) -> (vector<16xf32>)  : i32 {
      %mul3A_173 = arith.constant 2 : i32
      %mul3A_174 = arith.muli %scan3A_171, %mul3A_173 : i32
      %get3A = arith.index_cast %mul3A_174 : i32 to index
      %get3A_175 = arith.constant 0 : index
      %get3A_176 = tpu.vector_load %arg23[%get3A, %get3A_175] {strides = array<i32>} : memref<128x16xf32, #tpu.memory_space<vmem>>, vector<1x16xf32>,
      %get3A_177 = vector.shape_cast %get3A_176 : vector<1x16xf32> to vector<16xf32>
      %broadcast_in_dim3A_178 = arith.constant 0.000000e+00 : f32
      %broadcast_in_dim3A_179 = vector.broadcast %broadcast_in_dim3A_178 : f32 to vector<16xf32>
      %scan3A_180 = arith.constant 0 : i32
      %scan3A_181 = arith.constant 4 : i32
      %scan3A_182 = arith.addi %scan3A_180, %scan3A_181 : i32
      %scan3A_183 = arith.constant 1 : i32
      %scan3A_184 = scf.for %scan3A_233 = %scan3A_180 to %scan3A_182 step %scan3A_183 iter_args(%scan3A_234 = %broadcast_in_dim3A_179) -> (vector<16xf32>)  : i32 {
        %mul3A_235 = arith.constant 2 : i32
        %mul3A_236 = arith.muli %scan3A_233, %mul3A_235 : i32
        %mul3A_237 = arith.constant 16 : i32
        %mul3A_238 = arith.muli %mul3A_236, %mul3A_237 : i32
        %mul3A_239 = arith.constant 2 : i32
        %mul3A_240 = arith.muli %scan3A_233, %mul3A_239 : i32
        %mul3A_241 = arith.constant 16 : i32
        %mul3A_242 = arith.muli %mul3A_240, %mul3A_241 : i32
        %add3A_243 = arith.constant 16 : i32
        %add3A_244 = arith.addi %mul3A_242, %add3A_243 : i32
        %get3A_245 = arith.index_cast %mul3A_174 : i32 to index
        %get3A_246 = arith.index_cast %mul3A_238 : i32 to index
        %get3A_247 = tpu.vector_load %arg20[%get3A_245, %get3A_246] {strides = array<i32>} : memref<128x128xf32, #tpu.memory_space<vmem>>, vector<1x16xf32>,
        %get3A_248 = vector.shape_cast %get3A_247 : vector<1x16xf32> to vector<16xf32>
        %get3A_249 = arith.index_cast %mul3A_174 : i32 to index
        %get3A_250 = arith.index_cast %mul3A_238 : i32 to index
        %get3A_251 = tpu.vector_load %arg22[%get3A_249, %get3A_250] {strides = array<i32>} : memref<128x128xf32, #tpu.memory_space<vmem>>, vector<1x16xf32>,
        %get3A_252 = vector.shape_cast %get3A_251 : vector<1x16xf32> to vector<16xf32>
        %add3A_253 = arith.addf %get3A_248, %get3A_252 : vector<16xf32>
        %get3A_254 = arith.index_cast %mul3A_174 : i32 to index
        %get3A_255 = arith.index_cast %mul3A_238 : i32 to index
        %get3A_256 = tpu.vector_load %arg21[%get3A_254, %get3A_255] {strides = array<i32>} : memref<128x128xf32, #tpu.memory_space<vmem>>, vector<1x16xf32>,
        %get3A_257 = vector.shape_cast %get3A_256 : vector<1x16xf32> to vector<16xf32>
        %sub3A_258 = arith.subf %add3A_253, %get3A_257 : vector<16xf32>
        %abs3A = math.absf %sub3A_258 : vector<16xf32>
        %get3A_259 = arith.index_cast %mul3A_174 : i32 to index
        %get3A_260 = arith.index_cast %add3A_244 : i32 to index
        %get3A_261 = tpu.vector_load %arg20[%get3A_259, %get3A_260] {strides = array<i32>} : memref<128x128xf32, #tpu.memory_space<vmem>>, vector<1x16xf32>,
        %get3A_262 = vector.shape_cast %get3A_261 : vector<1x16xf32> to vector<16xf32>
        %get3A_263 = arith.index_cast %mul3A_174 : i32 to index
        %get3A_264 = arith.index_cast %add3A_244 : i32 to index
        %get3A_265 = tpu.vector_load %arg22[%get3A_263, %get3A_264] {strides = array<i32>} : memref<128x128xf32, #tpu.memory_space<vmem>>, vector<1x16xf32>,
        %get3A_266 = vector.shape_cast %get3A_265 : vector<1x16xf32> to vector<16xf32>
        %add3A_267 = arith.addf %get3A_262, %get3A_266 : vector<16xf32>
        %get3A_268 = arith.index_cast %mul3A_174 : i32 to index
        %get3A_269 = arith.index_cast %add3A_244 : i32 to index
        %get3A_270 = tpu.vector_load %arg21[%get3A_268, %get3A_269] {strides = array<i32>} : memref<128x128xf32, #tpu.memory_space<vmem>>, vector<1x16xf32>,
        %get3A_271 = vector.shape_cast %get3A_270 : vector<1x16xf32> to vector<16xf32>
        %sub3A_272 = arith.subf %add3A_267, %get3A_271 : vector<16xf32>
        %abs3A_273 = math.absf %sub3A_272 : vector<16xf32>
        %add3A_274 = arith.addf %abs3A, %abs3A_273 : vector<16xf32>
        %add3A_275 = arith.addf %scan3A_234, %add3A_274 : vector<16xf32>
        scf.yield %add3A_275 : vector<16xf32>
      }
      %scan3A_185 = arith.constant 4 : i32
      %sub3A_186 = arith.subf %get3A_177, %scan3A_184 : vector<16xf32>
      %add3A_187 = arith.constant 1 : i32
      %add3A_188 = arith.addi %mul3A_174, %add3A_187 : i32
      %get3A_189 = arith.index_cast %add3A_188 : i32 to index
      %get3A_190 = arith.constant 0 : index
      %get3A_191 = tpu.vector_load %arg23[%get3A_189, %get3A_190] {strides = array<i32>} : memref<128x16xf32, #tpu.memory_space<vmem>>, vector<1x16xf32>,
      %get3A_192 = vector.shape_cast %get3A_191 : vector<1x16xf32> to vector<16xf32>
      %add3A_193 = arith.constant 1 : i32
      %add3A_194 = arith.addi %mul3A_174, %add3A_193 : i32
      %broadcast_in_dim3A_195 = arith.constant 0.000000e+00 : f32
      %broadcast_in_dim3A_196 = vector.broadcast %broadcast_in_dim3A_195 : f32 to vector<16xf32>
      %scan3A_197 = arith.constant 0 : i32
      %scan3A_198 = arith.constant 4 : i32
      %scan3A_199 = arith.addi %scan3A_197, %scan3A_198 : i32
      %scan3A_200 = arith.constant 1 : i32
      %scan3A_201 = scf.for %scan3A_233 = %scan3A_197 to %scan3A_199 step %scan3A_200 iter_args(%scan3A_234 = %broadcast_in_dim3A_196) -> (vector<16xf32>)  : i32 {
        %mul3A_235 = arith.constant 2 : i32
        %mul3A_236 = arith.muli %scan3A_233, %mul3A_235 : i32
        %mul3A_237 = arith.constant 16 : i32
        %mul3A_238 = arith.muli %mul3A_236, %mul3A_237 : i32
        %mul3A_239 = arith.constant 2 : i32
        %mul3A_240 = arith.muli %scan3A_233, %mul3A_239 : i32
        %mul3A_241 = arith.constant 16 : i32
        %mul3A_242 = arith.muli %mul3A_240, %mul3A_241 : i32
        %add3A_243 = arith.constant 16 : i32
        %add3A_244 = arith.addi %mul3A_242, %add3A_243 : i32
        %get3A_245 = arith.index_cast %add3A_194 : i32 to index
        %get3A_246 = arith.index_cast %mul3A_238 : i32 to index
        %get3A_247 = tpu.vector_load %arg20[%get3A_245, %get3A_246] {strides = array<i32>} : memref<128x128xf32, #tpu.memory_space<vmem>>, vector<1x16xf32>,
        %get3A_248 = vector.shape_cast %get3A_247 : vector<1x16xf32> to vector<16xf32>
        %get3A_249 = arith.index_cast %add3A_194 : i32 to index
        %get3A_250 = arith.index_cast %mul3A_238 : i32 to index
        %get3A_251 = tpu.vector_load %arg22[%get3A_249, %get3A_250] {strides = array<i32>} : memref<128x128xf32, #tpu.memory_space<vmem>>, vector<1x16xf32>,
        %get3A_252 = vector.shape_cast %get3A_251 : vector<1x16xf32> to vector<16xf32>
        %add3A_253 = arith.addf %get3A_248, %get3A_252 : vector<16xf32>
        %get3A_254 = arith.index_cast %add3A_194 : i32 to index
        %get3A_255 = arith.index_cast %mul3A_238 : i32 to index
        %get3A_256 = tpu.vector_load %arg21[%get3A_254, %get3A_255] {strides = array<i32>} : memref<128x128xf32, #tpu.memory_space<vmem>>, vector<1x16xf32>,
        %get3A_257 = vector.shape_cast %get3A_256 : vector<1x16xf32> to vector<16xf32>
        %sub3A_258 = arith.subf %add3A_253, %get3A_257 : vector<16xf32>
        %abs3A = math.absf %sub3A_258 : vector<16xf32>
        %get3A_259 = arith.index_cast %add3A_194 : i32 to index
        %get3A_260 = arith.index_cast %add3A_244 : i32 to index
        %get3A_261 = tpu.vector_load %arg20[%get3A_259, %get3A_260] {strides = array<i32>} : memref<128x128xf32, #tpu.memory_space<vmem>>, vector<1x16xf32>,
        %get3A_262 = vector.shape_cast %get3A_261 : vector<1x16xf32> to vector<16xf32>
        %get3A_263 = arith.index_cast %add3A_194 : i32 to index
        %get3A_264 = arith.index_cast %add3A_244 : i32 to index
        %get3A_265 = tpu.vector_load %arg22[%get3A_263, %get3A_264] {strides = array<i32>} : memref<128x128xf32, #tpu.memory_space<vmem>>, vector<1x16xf32>,
        %get3A_266 = vector.shape_cast %get3A_265 : vector<1x16xf32> to vector<16xf32>
        %add3A_267 = arith.addf %get3A_262, %get3A_266 : vector<16xf32>
        %get3A_268 = arith.index_cast %add3A_194 : i32 to index
        %get3A_269 = arith.index_cast %add3A_244 : i32 to index
        %get3A_270 = tpu.vector_load %arg21[%get3A_268, %get3A_269] {strides = array<i32>} : memref<128x128xf32, #tpu.memory_space<vmem>>, vector<1x16xf32>,
        %get3A_271 = vector.shape_cast %get3A_270 : vector<1x16xf32> to vector<16xf32>
        %sub3A_272 = arith.subf %add3A_267, %get3A_271 : vector<16xf32>
        %abs3A_273 = math.absf %sub3A_272 : vector<16xf32>
        %add3A_274 = arith.addf %abs3A, %abs3A_273 : vector<16xf32>
        %add3A_275 = arith.addf %scan3A_234, %add3A_274 : vector<16xf32>
        scf.yield %add3A_275 : vector<16xf32>
      }
      %scan3A_202 = arith.constant 4 : i32
      %sub3A_203 = arith.subf %get3A_192, %scan3A_201 : vector<16xf32>
      %broadcast_in_dim3A_204 = vector.shape_cast %select_n3A_60 : vector<16xi32> to vector<16x1xi32>
      %gather3A = vector.shape_cast %broadcast_in_dim3A_204 : vector<16x1xi32> to vector<16xi32>
      %gather3A_205 = tpu.dynamic_gather %sub3A_186[%gather3A] in [0] : vector<16xf32>, vector<16xi32> -> vector<16xf32>
      %add3A_206 = arith.addf %sub3A_186, %gather3A_205 : vector<16xf32>
      %broadcast_in_dim3A_207 = vector.shape_cast %select_n3A_60 : vector<16xi32> to vector<16x1xi32>
      %gather3A_208 = vector.shape_cast %broadcast_in_dim3A_207 : vector<16x1xi32> to vector<16xi32>
      %gather3A_209 = tpu.dynamic_gather %sub3A_203[%gather3A_208] in [0] : vector<16xf32>, vector<16xi32> -> vector<16xf32>
      %add3A_210 = arith.addf %sub3A_203, %gather3A_209 : vector<16xf32>
      %select_n3A_211 = arith.select %lt3A_92, %add3A_206, %add3A_210 : vector<16xi1>, vector<16xf32>
      %broadcast_in_dim3A_212 = vector.shape_cast %or3A : vector<16xi32> to vector<16x1xi32>
      %gather3A_213 = vector.shape_cast %broadcast_in_dim3A_212 : vector<16x1xi32> to vector<16xi32>
      %gather3A_214 = tpu.dynamic_gather %select_n3A_211[%gather3A_213] in [0] : vector<16xf32>, vector<16xi32> -> vector<16xf32>
      %add3A_215 = arith.addf %select_n3A_211, %gather3A_214 : vector<16xf32>
      %broadcast_in_dim3A_216 = vector.shape_cast %or3A_79 : vector<16xi32> to vector<16x1xi32>
      %gather3A_217 = vector.shape_cast %broadcast_in_dim3A_216 : vector<16x1xi32> to vector<16xi32>
      %gather3A_218 = tpu.dynamic_gather %add3A_215[%gather3A_217] in [0] : vector<16xf32>, vector<16xi32> -> vector<16xf32>
      %add3A_219 = arith.addf %add3A_215, %gather3A_218 : vector<16xf32>
      %broadcast_in_dim3A_220 = vector.shape_cast %or3A_89 : vector<16xi32> to vector<16x1xi32>
      %gather3A_221 = vector.shape_cast %broadcast_in_dim3A_220 : vector<16x1xi32> to vector<16xi32>
      %gather3A_222 = tpu.dynamic_gather %add3A_219[%gather3A_221] in [0] : vector<16xf32>, vector<16xi32> -> vector<16xf32>
      %add3A_223 = arith.addf %add3A_219, %gather3A_222 : vector<16xf32>
      %add3A_224 = arith.constant 2.000000e+00 : f32
      %add3A_225 = vector.broadcast %add3A_224 : f32 to vector<16xf32>
      %add3A_226 = arith.addf %add3A_225, %add3A_223 : vector<16xf32>
      %max3A = arith.constant 0.000000e+00 : f32
      %max3A_227 = vector.broadcast %max3A : f32 to vector<16xf32>
      %max3A_228 = arith.maximumf %add3A_226, %max3A_227 : vector<16xf32>
      %jit3A_229 = arith.constant 0.000000e+00 : f32
      %broadcast_in_dim3A_230 = vector.broadcast %jit3A_229 : f32 to vector<16xf32>
      %select_n3A_231 = arith.select %eq3A_98, %max3A_228, %broadcast_in_dim3A_230 : vector<16xi1>, vector<16xf32>
      %add3A_232 = arith.addf %scan3A_172, %select_n3A_231 : vector<16xf32>
      scf.yield %add3A_232 : vector<16xf32>
    }
    %scan3A_128 = arith.constant 64 : i32
    %swap3A = arith.constant 0 : index
    %swap3A_129 = tpu.vector_load %arg24[%swap3A] {strides = array<i32>} : memref<16xf32, #tpu.memory_space<vmem>>, vector<16xf32>,
    %swap3A_130 = vector.shape_cast %swap3A_129 : vector<16xf32> to vector<16xf32>
    %swap3A_131 = vector.shape_cast %scan3A_127 : vector<16xf32> to vector<16xf32>
    tpu.vector_store %arg24[%swap3A], %swap3A_131 {strides = array<i32>} : memref<16xf32, #tpu.memory_space<vmem>>, vector<16xf32>,
    %jit3A_132 = arith.constant 8 : i32
    %div3A = arith.divsi %add3A, %jit3A_132 : i32
    %sign3A = arith.constant 0 : i32
    %sign3A_133 = arith.cmpi sgt, %add3A, %sign3A : i32
    %sign3A_134 = arith.extui %sign3A_133 : i1 to i32
    %sign3A_135 = arith.constant 0 : i32
    %sign3A_136 = arith.cmpi slt, %add3A, %sign3A_135 : i32
    %sign3A_137 = arith.extui %sign3A_136 : i1 to i32
    %sign3A_138 = arith.subi %sign3A_134, %sign3A_137 : i32
    %sign3A_139 = arith.constant 0 : i32
    %sign3A_140 = arith.cmpi sgt, %jit3A_132, %sign3A_139 : i32
    %sign3A_141 = arith.extui %sign3A_140 : i1 to i32
    %sign3A_142 = arith.constant 0 : i32
    %sign3A_143 = arith.cmpi slt, %jit3A_132, %sign3A_142 : i32
    %sign3A_144 = arith.extui %sign3A_143 : i1 to i32
    %sign3A_145 = arith.subi %sign3A_141, %sign3A_144 : i32
    %ne3A_146 = arith.cmpi ne, %sign3A_138, %sign3A_145 : i32
    %rem3A_147 = arith.remsi %add3A, %jit3A_132 : i32
    %ne3A_148 = arith.constant 0 : i32
    %ne3A_149 = arith.cmpi ne, %rem3A_147, %ne3A_148 : i32
    %and3A_150 = arith.andi %ne3A_146, %ne3A_149 : i1
    %sub3A = arith.constant 1 : i32
    %sub3A_151 = arith.subi %div3A, %sub3A : i32
    %select_n3A_152 = arith.select %and3A_150, %sub3A_151, %div3A : i32
    %jit3A_153 = arith.constant 8 : i32
    %eq3A_154 = arith.constant 0 : i32
    %eq3A_155 = arith.cmpi eq, %jit3A_153, %eq3A_154 : i32
    %jit3A_156 = arith.constant 1 : i32
    %select_n3A_157 = arith.select %eq3A_155, %jit3A_156, %jit3A_153 : i32
    %rem3A_158 = arith.remsi %add3A, %select_n3A_157 : i32
    %ne3A_159 = arith.constant 0 : i32
    %ne3A_160 = arith.cmpi ne, %rem3A_158, %ne3A_159 : i32
    %lt3A_161 = arith.constant 0 : i32
    %lt3A_162 = arith.cmpi slt, %rem3A_158, %lt3A_161 : i32
    %lt3A_163 = arith.constant 0 : i32
    %lt3A_164 = arith.cmpi slt, %select_n3A_157, %lt3A_163 : i32
    %ne3A_165 = arith.xori %lt3A_162, %lt3A_164 : i1
    %and3A_166 = arith.andi %ne3A_165, %ne3A_160 : i1
    %add3A_167 = arith.addi %rem3A_158, %select_n3A_157 : i32
    %select_n3A_168 = arith.select %and3A_166, %add3A_167, %rem3A_158 : i32
    %mul3A_169 = arith.constant 16 : i32
    %mul3A_170 = arith.muli %select_n3A_168, %mul3A_169 : i32
    "tpu.region"() ({
      %run_scoped3A = tpu.sem_alloc : memref<!tpu.dma_semaphore, #tpu.memory_space<semaphore_mem>>
      %dma_start3A_171 = tpu.memref_slice %arg10[%select_n3A_152, %mul3A_170] : memref<4x128xf32, #tpu.memory_space<hbm>> -> memref<1x16xf32, #tpu.memory_space<hbm>>
      %dma_start3A_172 = tpu.memref_squeeze %dma_start3A_171 : memref<1x16xf32, #tpu.memory_space<hbm>> -> memref<16xf32, #tpu.memory_space<hbm>>
      %dma_start3A_173 = tpu.memref_slice %arg10[%select_n3A_152, %mul3A_170] : memref<4x128xf32, #tpu.memory_space<hbm>> -> memref<1x16xf32, #tpu.memory_space<hbm>>
      %dma_start3A_174 = tpu.memref_squeeze %dma_start3A_173 : memref<1x16xf32, #tpu.memory_space<hbm>> -> memref<16xf32, #tpu.memory_space<hbm>>
      tpu.enqueue_dma source(%arg24 : memref<16xf32, #tpu.memory_space<vmem>>) target(%dma_start3A_174 : memref<16xf32, #tpu.memory_space<hbm>>) target_semaphore(%run_scoped3A : memref<!tpu.dma_semaphore, #tpu.memory_space<semaphore_mem>>)
      %dma_wait3A_175 = tpu.memref_slice %arg10[%select_n3A_152, %mul3A_170] : memref<4x128xf32, #tpu.memory_space<hbm>> -> memref<1x16xf32, #tpu.memory_space<hbm>>
      %dma_wait3A_176 = tpu.memref_squeeze %dma_wait3A_175 : memref<1x16xf32, #tpu.memory_space<hbm>> -> memref<16xf32, #tpu.memory_space<hbm>>
      %dma_wait3A_177 = tpu.memref_slice %arg10[%select_n3A_152, %mul3A_170] : memref<4x128xf32, #tpu.memory_space<hbm>> -> memref<1x16xf32, #tpu.memory_space<hbm>>
      %dma_wait3A_178 = tpu.memref_squeeze %dma_wait3A_177 : memref<1x16xf32, #tpu.memory_space<hbm>> -> memref<16xf32, #tpu.memory_space<hbm>>
      tpu.wait_dma2 semaphore(%run_scoped3A : memref<!tpu.dma_semaphore, #tpu.memory_space<semaphore_mem>>) src(%arg24 : memref<16xf32, #tpu.memory_space<vmem>>) dst(%dma_wait3A_178 : memref<16xf32, #tpu.memory_space<hbm>>)
      tpu.yield
    }) : () -> ()
    return
  }
}

module attributes {stable_mosaic.version = 14 : i64} {
  func.func @_finish(%arg0: memref<4x128xf32, #tpu.memory_space<vmem>>, %arg1: memref<1x1xf32, #tpu.memory_space<smem>>) attributes {dimension_semantics = [], scalar_prefetch = 0 : i64, scratch_operands = 0 : i64, tpu.core_type = #tpu.core_type<tc>} {
    %get3A = arith.constant 0 : index
    %get3A_0 = arith.constant 0 : index
    %get3A_1 = vector.load %arg0[%get3A, %get3A_0] : memref<4x128xf32, #tpu.memory_space<vmem>>, vector<4x128xf32>
    %reduce_sum3A = vector.shape_cast %get3A_1 : vector<4x128xf32> to vector<1x4x128xf32>
    %reduce_sum3A_2 = arith.constant dense<0.000000e+00> : vector<1xf32>
    %reduce_sum3A_3 = vector.multi_reduction <add>, %reduce_sum3A, %reduce_sum3A_2 [1, 2] : vector<1x4x128xf32> to vector<1xf32>
    %reduce_sum3A_4 = vector.shape_cast %reduce_sum3A_3 : vector<1xf32> to vector<1x1x1xf32>
    %reduce_sum3A_5 = vector.extract %reduce_sum3A_4[0, 0, 0] : f32 from vector<1x1x1xf32>
    %swap3A = arith.constant 0 : index
    %swap3A_6 = arith.constant 0 : index
    %swap3A_7 = memref.load %arg1[%swap3A, %swap3A_6] : memref<1x1xf32, #tpu.memory_space<smem>>
    memref.store %reduce_sum3A_5, %arg1[%swap3A, %swap3A_6] : memref<1x1xf32, #tpu.memory_space<smem>>
    return
  }
}

</mosaic_0001>

<sc_bundles>
// kernel: kernel.4.cloned.1.call-start
scs
__scs_entry_jumppad:
0x0: {  	(pc) =	sbr.rel $0x88, $3  }
0x1: {  	(tag) =	ssettag $0x0;
	lr =	simm.s32 $0x1  }
0x2: {  	[smem:$0x3F99] =	sst lr;
	_ =	strace $0xD0000000  }
0x3: {  	_ = 	snop  }
0x4: {  	_ = 	snop  }
0x5: {  	_ = 	snop  }
0x6: {  	_ = 	snop  }
0x7: {  	_ = 	snop  }
__scs_overlays_trampoline_lowered:
0x8: {  	[smem:$0x3FA8] =	sst s0  }
0x9: {  	[smem:$0x3FA9] =	sst s1  }
0xa: {  	[smem:$0x3FAA] =	sst s2  }
0xb: {  	[smem:$0x3FAB] =	sst s3  }
0xc: {  	[smem:$0x3FAC] =	sst s4  }
0xd: {  	[smem:$0x3FAD] =	sst s5  }
0xe: {  	[smem:$0x3FAE] =	sst s6  }
0xf: {  	[smem:$0x3FAF] =	sst s7  }
0x10: {  	[smem:$0x3FB0] =	sst s8  }
0x11: {  	[smem:$0x3FB1] =	sst s9;
	s0 =	simm.s32 @!p0 $0x0  }
0x12: {  	s1 =	sld [smem:$0x3F97];
	s0 =	simm.s32 @p0 $0x1  }
0x13: {  	[smem:$0x3FB2] =	sst s0;
	s0 =	simm.s32 @!p1 $0x0  }
0x14: {  	s2 =	sld [smem:$0x3F96];
	s0 =	simm.s32 @p1 $0x1  }
0x15: {  	[smem:$0x3FB3] =	sst s0;
	s0 =	simm.s32 @!p2 $0x0  }
0x16: {  	s3 =	sld [smem:$0x3FDB];
	s0 =	simm.s32 @p2 $0x1  }
0x17: {  	s4 =	simm.s32 $0x1BF5;
	[smem:$0x3FB5] =	sst s0  }
0x18: {  	s0 =	sld [smem:$0x3F98];
	_ =	swait.ge [sflag:s4], $0x0  }
0x19: {  	s7 =	sld [smem:$0x3F99]  }
0x1a: {  	s8 =	sadd.s32 $0xFFFFE003, lr  }
0x1b: {  	s9 =	sadd.s32 $0xFFFFFEF7, lr;
	s5 =	simm.s32 $0xFFFFFFFF;
	p2 =	slt.u32 s8, $0xFFFFF086  }
0x1c: {  	p1 =	slt.u32 s9, $0xF7A;
	s5 =	simm.s32 @!p2 $0x0  }
0x1d: {  	s5 =	simm.s32 @p1 $0x1;
	p0 =	seq.s32 s7, s2  }
0x1e: {  	s7 =	smul.u32 @!p0 $0xF7A, s2;
	p2 =	seq.s32 @!p0 s5, $0x0  }
0x1f: {  	s9 =	smul.u32 $0xF7A, s1;
	s8 =	simm.s32 @!p0 $0x1BF5;
	p2 =	por !p2, p0  }
0x20: {  	[sflag:s8] =	ssyncset.s32 @!p0 $0xFFFFF086;
	s6 =	sadd.s32 @!p0 s3, s7;
	s7 =	simm.s32 @!p0 $0x108  }
0x21: {  	s3 =	sadd.s32 s3, s9;
	s6 =	sadd.s32 @!p0 $0x88, s6;
	s7 =	simm.s32 @p2 $0x1082  }
0x22: {  	[simem:s7], [sflag:s8] =	dma.local @!p0 [hbm:s6], $0xF7A  }
0x23: {  	s9 =	sor.u32 $0xD0000000, s2;
	s6 =	simm.s32 $0x108;
	_ =	swait.ge @!p0 [sflag:s8], $0x0  }
0x24: {  	s3 =	sadd.s32 $0x88, s3;
	s6 =	simm.s32 @!p1 $0x1082;
	[sflag:s4] =	ssyncset.s32 $0xFFFFF086  }
0x25: {  	[simem:s6], [sflag:s4] =	dma.local [hbm:s3], $0xF7A  }
0x26: {  	[smem:$0x3F99] =	sst s1;
	(tag) =	ssettag s2;
	_ =	strace s9  }
0x27: {  	s1 =	sld [smem:$0x3FA9]  }
0x28: {  	s2 =	sld [smem:$0x3FAA]  }
0x29: {  	s4 =	sld [smem:$0x3FAC]  }
0x2a: {  	p0 =	seq.s32 s5, $0x0;
	s5 =	sld [smem:$0x3FAD]  }
0x2b: {  	s6 =	sld [smem:$0x3FAE]  }
0x2c: {  	s7 =	sld [smem:$0x3FAF]  }
0x2d: {  	s3 =	simm.s32 $0x108;
	s8 =	sld [smem:$0x3FB0]  }
0x2e: {  	s3 =	simm.s32 @!p0 $0x1082;
	s9 =	sld [smem:$0x3FB1]  }
0x2f: {  	lr =	sadd.s32 s0, s3;
	s0 =	sld [smem:$0x3FA8]  }
0x30: {  	s3 =	sld [smem:$0x3FAB]  }
0x31: {  	[smem:$0x3FB4] =	sst s10  }
0x32: {  	s10 =	sld [smem:$0x3FB2];
	_ =	sdelay $0x3  }
0x33: {  	p0 =	seq.s32 s10, $0x1;
	s10 =	sld [smem:$0x3FB4];
	_ =	sdelay $0x3  }
0x34: {  	[smem:$0x3FB4] =	sst s10  }
0x35: {  	s10 =	sld [smem:$0x3FB3];
	_ =	sdelay $0x3  }
0x36: {  	p1 =	seq.s32 s10, $0x1;
	s10 =	sld [smem:$0x3FB4];
	_ =	sdelay $0x3  }
0x37: {  	[smem:$0x3FB4] =	sst s10  }
0x38: {  	s10 =	sld [smem:$0x3FB5]  }
0x39: {  	_ = 	snop;
	(pc) =	sbr.ind lr, $3  }
0x3a: {  	_ = 	snop  }
0x3b: {  	_ = 	snop  }
0x3c: {  	p2 =	seq.s32 s10, $0x1;
	s10 =	sld [smem:$0x3FB4]  }
0x3d: {  	_ =	shalt  }
0x3e: {  	_ =	shalt  }
0x3f: {  	_ =	shalt  }
0x40: {  	_ =	shalt  }
0x41: {  	_ =	shalt  }
0x42: {  	_ =	shalt  }
0x43: {  	_ =	shalt  }
0x44: {  	_ =	shalt  }
0x45: {  	_ =	shalt  }
0x46: {  	_ =	shalt  }
0x47: {  	_ =	shalt  }
0x48: {  	_ =	shalt  }
0x49: {  	_ =	shalt  }
0x4a: {  	_ =	shalt  }
0x4b: {  	_ =	shalt  }
0x4c: {  	_ =	shalt  }
0x4d: {  	_ =	shalt  }
0x4e: {  	_ =	shalt  }
0x4f: {  	_ =	shalt  }
0x50: {  	_ =	shalt  }
0x51: {  	_ =	shalt  }
0x52: {  	_ =	shalt  }
0x53: {  	_ =	shalt  }
0x54: {  	_ =	shalt  }
0x55: {  	_ =	shalt  }
0x56: {  	_ =	shalt  }
0x57: {  	_ =	shalt  }
0x58: {  	_ =	shalt  }
0x59: {  	_ =	shalt  }
0x5a: {  	_ =	shalt  }
0x5b: {  	_ =	shalt  }
0x5c: {  	_ =	shalt  }
0x5d: {  	_ =	shalt  }
0x5e: {  	_ =	shalt  }
0x5f: {  	_ =	shalt  }
0x60: {  	_ =	shalt  }
0x61: {  	_ =	shalt  }
0x62: {  	_ =	shalt  }
0x63: {  	_ =	shalt  }
0x64: {  	_ =	shalt  }
0x65: {  	_ =	shalt  }
0x66: {  	_ =	shalt  }
0x67: {  	_ =	shalt  }
0x68: {  	_ =	shalt  }
0x69: {  	_ =	shalt  }
0x6a: {  	_ =	shalt  }
0x6b: {  	_ =	shalt  }
0x6c: {  	_ =	shalt  }
0x6d: {  	_ =	shalt  }
0x6e: {  	_ =	shalt  }
0x6f: {  	_ =	shalt  }
0x70: {  	_ =	shalt  }
0x71: {  	_ =	shalt  }
0x72: {  	_ =	shalt  }
0x73: {  	_ =	shalt  }
0x74: {  	_ =	shalt  }
0x75: {  	_ =	shalt  }
0x76: {  	_ =	shalt  }
0x77: {  	_ =	shalt  }
0x78: {  	_ =	shalt  }
0x79: {  	_ =	shalt  }
0x7a: {  	_ =	shalt  }
0x7b: {  	_ =	shalt  }
0x7c: {  	_ =	shalt  }
0x7d: {  	_ =	shalt  }
0x7e: {  	_ =	shalt  }
0x7f: {  	_ =	shalt  }
0x80: {  	_ =	shalt  }
0x81: {  	_ =	shalt  }
0x82: {  	_ =	shalt  }
0x83: {  	_ =	shalt  }
0x84: {  	_ =	shalt  }
0x85: {  	_ =	shalt  }
0x86: {  	_ =	shalt  }
0x87: {  	_ =	shalt  }
.Lfunc_end0:
.L_simem_size_0:
called_computation_lowered:
.L_overlay_start_0:
0x88: {  	s2 =	sld [smem:$0x3FD9]  }
0x89: {  	s3 =	sld [smem:$0x3FFE];
	_ =	sdelay $0x1  }
0x8a: {  	s1 =	srdreg.scid  }
0x8b: {  	s0 =	sand.u32 $0x1, s1  }
0x8c: {  	s17 =	sshll.u32 s0, $0xA;
	s2 =	sadd.s32 s3, s2  }
0x8d: {  	s2 =	sadd.s32 s2, s17  }
0x8e: {  	[smem:$0x3FC0] =	sst s2  }
0x8f: {  	_ = 	snop  }
0x90: {  	s2 =	sld [smem:$0x3FC9]  }
0x91: {  	s18 =	sld [smem:$0x3FC8]  }
0x92: {  	s4 =	sld [smem:$0x3FC7]  }
0x93: {  	s5 =	sld [smem:$0x3FC6]  }
0x94: {  	s6 =	sld [smem:$0x3FC5]  }
0x95: {  	s7 =	sld [smem:$0x3FC4]  }
0x96: {  	s8 =	sld [smem:$0x3FC3]  }
0x97: {  	s9 =	sld [smem:$0x3FC2];
	(tm) =	ssettm $0x1  }
0x98: {  	s10 =	sld [smem:$0x3FFB];
	_ =	sdelay $0x3  }
0x99: {  	_ =	strace s10  }
0x9a: {  	s10 =	sld [smem:$0x3FFC];
	_ =	sdelay $0x3  }
0x9b: {  	_ =	strace s10  }
0x9c: {  	s10 =	sld [smem:$0x3FFD];
	_ =	sdelay $0x3  }
0x9d: {  	_ =	strace s10  }
0x9e: {  	_ =	strace $0x8FFFFFFF  }
0x9f: {  	s19 =	sld [smem:$0x3FDB];
	_ =	sdelay $0x1  }
0xa0: {  	s11 =	simm.s32 $_scs_section_size  }
0xa1: {  	s12 =	simm.s32 $_size__tile_overlayer_lowered;
	s13 =	simm.s32 $_tile_overlayer_lowered  }
0xa2: {  	s22 =	simm.s32 $0x1BFF;
	s21 =	sshll.u32 s13, $0x1;
	s10 =	sadd.s32 s11, s19  }
0xa3: {  	s14 =	simm.s32 $0x0;
	s20 =	sshll.u32 s12, $0x1;
	s12 =	sadd.s32 s21, s10  }
0xa4: {  	[timem:s14], [sflag:s22] =	dma.local [hbm:s12], s20  }
0xa5: {  	_ =	swait.ge [sflag:s22], s20  }
0xa6: {  	s11 =	ssub.s32 $0x0, s20;
	[sflag:s22] =	ssyncset.done $0x0  }
0xa7: {  	[sflag:s22] =	ssyncadd.s32 s11;
	_ =	sdelay $0x1  }
0xa8: {  	s23 =	simm.s32 $0x1B8B  }
0xa9: {  	_ =	swait.ge [sflag:s23], $0x1  }
0xaa: {  	[sflag:s23] =	ssyncset.done $0x0  }
0xab: {  	s25 =	simm.s32 $0x1B8E;
	s24 =	sld [smem:$0x3FFE];
	[sflag:s23] =	ssyncadd.s32 $0xFFFFFFFF  }
0xac: {  	s26 =	simm.s32 $execute0_lowered;
	[smem:$0x3FD2] =	sst s25  }
0xad: {  	s12 =	sshll.u32 s26, $0x1;
	_ =	strace $0x80000046;
	[dreg:$0x1] =	wrdreg $0xFFFFFFFF  }
0xae: {  	s28 =	simm.s32 $_size_execute0_lowered;
	s10 =	sadd.s32 s10, s12;
	[dreg:$0x0] =	wrdreg $0x0  }
0xaf: {  	s12 =	sshll.u32 s28, $0x1;
	[dreg:$0x2] =	wrdreg s10  }
0xb0: {  	[dreg:$0x3] =	wrdreg s12  }
0xb1: {  	[dreg:$0x4] =	wrdreg $0xC0  }
0xb2: {  	_ =	task [dreg:s14], $0x5FFFF  }
0xb3: {  	[dreg:$0x1] =	wrdreg $0xFFFFFFFF  }
0xb4: {  	[dreg:$0x0] =	wrdreg $0x60  }
0xb5: {  	[dreg:$0x2] =	wrdreg s2  }
0xb6: {  	[dreg:$0x3] =	wrdreg s18  }
0xb7: {  	[dreg:$0x4] =	wrdreg s4  }
0xb8: {  	[dreg:$0x5] =	wrdreg s5  }
0xb9: {  	[dreg:$0x6] =	wrdreg s6  }
0xba: {  	[dreg:$0x7] =	wrdreg s7  }
0xbb: {  	[dreg:$0x8] =	wrdreg s8  }
0xbc: {  	[dreg:$0x9] =	wrdreg s9  }
0xbd: {  	[dreg:$0xa] =	wrdreg s24  }
0xbe: {  	[dreg:$0xb] =	wrdreg $0x9  }
0xbf: {  	_ =	task.clear_ibuf [dreg:s14], $0xCFFFF;
	_ =	strace $0x90000046  }
0xc0: {  	s29 =	simm.s32 $0x9;
	_ =	strace $0x80000048  }
0xc1: {  	_ =	swait.ge [sflag:s29], $0x1  }
0xc2: {  	[sflag:s29] =	ssyncadd.s32 $0xFFFFFFFF  }
0xc3: {  	_ =	strace $0x90000048  }
0xc4: {  	_ =	sfence  }
0xc5: {  	s30 =	sld [smem:$0x0];
	_ =	sdelay $0x2  }
0xc6: {  	s31 =	sshll.u32 s1, $0xD;
	s1 =	sshrl.u32 s1, $0x2  }
0xc7: {  	s3 =	sand.u32 $0x4000, s31;
	s1 =	sadd.s32 s1, s30  }
0xc8: {  	s0 =	sor.u32 s3, s0;
	s1 =	sshll.u32 s1, $0x11  }
0xc9: {  	s0 =	sor.u32 s1, s0  }
0xca: {  	s0 =	sadd.s32 $0x8F2B, s0  }
0xcb: {  	[sflag:s0] =	ssyncadd.remote.s32 $0x1  }
0xcc: {  	_ =	sfence.sel $0xFFFF  }
0xcd: {  	[dreg:$0x0] =	wrdreg $0xFFFFFFFF;
	(pc) =	sbr.abs _section_cstart, $3  }
0xce: {  	[dreg:$0x1] =	wrdreg $0xFFFFFFFF  }
0xcf: {  	_ =	task.clear_ibuf [dreg:s14], $0x2FFFF;
	_ =	strace $0x9FFFFFFF  }
0xd0: {  	(tm) =	ssettm $0x7FFFFFFF  }
0xd1: {  	_ =	shalt  }
tec
execute0_lowered:
.L_overlay_start_1:
0x0: {  	(tag) =	ssettag $0x1  }
0x1: {  	s0 =	rddreg [dreg:$0x0]  }
0x2: {  	s1 =	rddreg [dreg:$0x1]  }
0x3: {  	s2 =	rddreg [dreg:$0x2]  }
0x4: {  	s3 =	rddreg [dreg:$0x3]  }
0x5: {  	s7 =	rddreg [dreg:$0x4]  }
0x6: {  	s8 =	rddreg [dreg:$0x5]  }
0x7: {  	s9 =	rddreg [dreg:$0x6]  }
0x8: {  	s10 =	rddreg [dreg:$0x7]  }
0x9: {  	s5 =	rddreg [dreg:$0x8];
	s4 =	simm.s32 $0x0  }
0xa: {  	s13 =	stileid.u32;
	s6 =	srdreg.scid;
	s15 =	simm.s32 $0x180  }
0xb: {  	v0 =	vimm.s32 $0xFEDCBA98;
	v1 =	vimm.s32 $0x76543210;
	s16 =	simm.s32 $0x200;
	s17 =	simm.s32 $0x280;
	s18 =	simm.s32 $0x1  }
0xc: {  	v2 =	vimm.s32 $0xBA98FEDC;
	s19 =	simm.s32 $0x300;
	s20 =	simm.s32 $0x4300;
	s21 =	simm.s32 $0x8300  }
0xd: {  	v3 =	vimm.s32 $0x32107654;
	s22 =	simm.s32 $0xC300;
	s23 =	simm.s32 $0x10300;
	s24 =	simm.s32 $0x14300  }
0xe: {  	v4 =	vimm.s32 $0x98FEDCBA;
	v5 =	vimm.s32 $0x10765432;
	s25 =	simm.s32 $0x2;
	s28 =	simm.s32 $0x1C300;
	s29 =	simm.s32 $0x4  }
0xf: {  	v6 =	vimm.s32 $0x8FEDCBA9;
	v7 =	vimm.s32 $0x7654321;
	s30 =	simm.s32 $0x0;
	[smem:$0x7FF] =	sst s4;
	s11 =	sshll.u32 s13, $0x2;
	v0 =	vunpack.c.l.s4.s8 v0  }
0x10: {  	s6 =	sand.u32 $0x1, s6;
	s13 =	sshll.u32 s13, $0x1;
	v1 =	vunpack.c.l.s4.s8 v1;
	v2 =	vunpack.c.l.s4.s8 v2;
	v3 =	vunpack.c.l.s4.s8 v3;
	_ =	strace $0x80000047  }
0x11: {  	v4 =	vunpack.c.l.s4.s8 v4;
	v5 =	vunpack.c.l.s4.s8 v5;
	v6 =	vunpack.c.l.s4.s8 v6;
	s11 =	sand.u32 $0x30, s11;
	s12 =	ssub.s32 $0x2, s6;
	s6 =	sor.u32 s6, s13  }
0x12: {  	v7 =	vunpack.c.l.s4.s8 v7;
	s11 =	sadd.s32 s11, s5;
	s26 =	sshrl.u32 s12, $0x1;
	v0 =	vunpack.c.0.s8.s32 v0;
	s13 =	sshll.u32 s6, $0x4;
	v1 =	vunpack.c.0.s8.s32 v1  }
0x13: {  	s14 =	sshll.u32 s6, $0x1;
	v2 =	vunpack.c.0.s8.s32 v2;
	v3 =	vunpack.c.0.s8.s32 v3;
	v4 =	vunpack.c.0.s8.s32 v4;
	s12 =	ssub.s32 s12, s26;
	s5 =	sadd.s32 s2, s13  }
0x14: {  	v5 =	vunpack.c.0.s8.s32 v5;
	v63 =	vunpack.c.0.s8.s32 v7;
	s6 =	sadd.s32 s3, s13;
	s31 =	sand.u32 $0xE, s14;
	s7 =	sadd.s32 s7, s13;
	v0 =	vand.u32 $0xF, v0  }
0x15: {  	s8 =	sadd.s32 s8, s13;
	s9 =	sadd.s32 s9, s13;
	s10 =	sadd.s32 s10, s13;
	v0 =	vcombine.low v0, v1;
	v1 =	vcombine.low v3, v2;
	v3 =	vunpack.c.0.s8.s32 v6  }
0x16: {  	vm1 =	vcmask $0x2320;
	vm2 =	vcmask $0x300;
	vm0 =	vmmov $0xff;
	s13 =	simm.s32 $0x80;
	s14 =	simm.s32 $0x100;
	s2 =	sadd.s32 s31, s11  }
0x17: {  	vm1 =	vmor vm2, vm1;
	s26 =	simm.s32 $0x3;
	s12 =	smax.u32 s12, $0x1;
	s11 =	sadd.s32 $0x600, s2;
	v2 =	vcombine.low v5, v4;
	v3 =	vcombine.low v63, v3  }
.LBB2_1:
0x18: {  	[tilespmem:s4], [sflag:$0x1] =	stream.linear.gather [hbm4b:s5+s4], $0x80, $0x38;
	[tilespmem:$0x1C380] =	vst v63  }
0x19: {  	_ = 	snop  }
0x1a: {  	[tilespmem:s13], [sflag:$0x1] =	stream.linear.gather [hbm4b:s6+s4], $0x80, $0x38;
	[tilespmem:$0x1C380] =	vst v63  }
0x1b: {  	_ = 	snop  }
0x1c: {  	[tilespmem:s14], [sflag:$0x1] =	stream.linear.gather [hbm4b:s7+s4], $0x80, $0x38;
	[tilespmem:$0x1C380] =	vst v63  }
0x1d: {  	_ = 	snop  }
0x1e: {  	[tilespmem:s15], [sflag:$0x1] =	stream.linear.gather [hbm4b:s8+s4], $0x80, $0x38;
	[tilespmem:$0x1C380] =	vst v63  }
0x1f: {  	_ = 	snop  }
0x20: {  	[tilespmem:s16], [sflag:$0x1] =	stream.linear.gather [hbm4b:s9+s4], $0x80, $0x38;
	[tilespmem:$0x1C380] =	vst v63  }
0x21: {  	_ = 	snop  }
0x22: {  	[tilespmem:s17], [sflag:$0x1] =	stream.linear.gather [hbm4b:s10+s4], $0x80, $0x38;
	[tilespmem:$0x1C380] =	vst v63  }
0x23: {  	_ =	swait.ge [sflag:s18], $0x80  }
0x24: {  	[sflag:s18] =	ssyncset.done $0x0  }
0x25: {  	[sflag:s18] =	ssyncadd.s32 $0xFFFFFF80  }
0x26: {  	_ =	swait.ge [sflag:s18], $0x80  }
0x27: {  	[sflag:s18] =	ssyncset.done $0x0  }
0x28: {  	[sflag:s18] =	ssyncadd.s32 $0xFFFFFF80  }
0x29: {  	_ =	swait.ge [sflag:s18], $0x80  }
0x2a: {  	[sflag:s18] =	ssyncset.done $0x0  }
0x2b: {  	[sflag:s18] =	ssyncadd.s32 $0xFFFFFF80  }
0x2c: {  	[tilespmem:s19], [sflag:$0x2] =	stream.indirect.gather [hbm4b:s0+s13], $0x80, s4, s13, $0xb8;
	[tilespmem:$0x1C380] =	vst v63  }
0x2d: {  	_ = 	snop  }
0x2e: {  	[tilespmem:s20], [sflag:$0x2] =	stream.indirect.gather [hbm4b:s0+s13], $0x80, s13, s13, $0xb8;
	[tilespmem:$0x1C380] =	vst v63  }
0x2f: {  	_ = 	snop  }
0x30: {  	[tilespmem:s21], [sflag:$0x2] =	stream.indirect.gather [hbm4b:s1+s13], $0x80, s14, s13, $0xb8;
	[tilespmem:$0x1C380] =	vst v63  }
0x31: {  	_ =	swait.ge [sflag:s18], $0x80  }
0x32: {  	[sflag:s18] =	ssyncset.done $0x0  }
0x33: {  	[sflag:s18] =	ssyncadd.s32 $0xFFFFFF80  }
0x34: {  	_ =	swait.ge [sflag:s18], $0x80  }
0x35: {  	[sflag:s18] =	ssyncset.done $0x0  }
0x36: {  	[sflag:s18] =	ssyncadd.s32 $0xFFFFFF80  }
0x37: {  	_ =	swait.ge [sflag:s18], $0x80  }
0x38: {  	[sflag:s18] =	ssyncset.done $0x0  }
0x39: {  	[sflag:s18] =	ssyncadd.s32 $0xFFFFFF80  }
0x3a: {  	[tilespmem:s22], [sflag:$0x3] =	stream.indirect.gather [hbm4b:s0+s13], $0x80, s15, s13, $0xb8;
	[tilespmem:$0x1C380] =	vst v63  }
0x3b: {  	_ = 	snop  }
0x3c: {  	[tilespmem:s23], [sflag:$0x3] =	stream.indirect.gather [hbm4b:s0+s13], $0x80, s16, s13, $0xb8;
	[tilespmem:$0x1C380] =	vst v63  }
0x3d: {  	_ = 	snop  }
0x3e: {  	[tilespmem:s24], [sflag:$0x3] =	stream.indirect.gather [hbm4b:s1+s13], $0x80, s17, s13, $0xb8;
	[tilespmem:$0x1C380] =	vst v63  }
0x3f: {  	_ =	swait.ge [sflag:s25], $0x4000  }
0x40: {  	[sflag:s25] =	ssyncset.done $0x0  }
0x41: {  	[sflag:s25] =	ssyncadd.s32 $0xFFFFC000  }
0x42: {  	_ =	swait.ge [sflag:s25], $0x4000  }
0x43: {  	[sflag:s25] =	ssyncset.done $0x0  }
0x44: {  	[sflag:s25] =	ssyncadd.s32 $0xFFFFC000  }
0x45: {  	_ =	swait.ge [sflag:s25], $0x4000  }
0x46: {  	[sflag:s25] =	ssyncset.done $0x0  }
0x47: {  	s2 =	simm.s32 $0x0;
	[sflag:s25] =	ssyncadd.s32 $0xFFFFC000  }
0x48: {  	v5 =	vld [tilespmem:s2+$0x4360]  }
0x49: {  	v4 =	vld [tilespmem:s2+$0x4340]  }
0x4a: {  	v8 =	vld [tilespmem:s2+$0x360]  }
0x4b: {  	v10 =	vld [tilespmem:s2+$0x8360]  }
0x4c: {  	v9 =	vld [tilespmem:s2+$0x370]  }
0x4d: {  	v11 =	vld [tilespmem:s2+$0x8370]  }
0x4e: {  	v6 =	vld [tilespmem:s2+$0x4300]  }
0x4f: {  	v7 =	vld [tilespmem:s2+$0x4310]  }
0x50: {  	v12 =	vld [tilespmem:s2+$0x340]  }
0x51: {  	v14 =	vld [tilespmem:s2+$0x8340]  }
0x52: {  	v13 =	vld [tilespmem:s2+$0x350]  }
0x53: {  	v15 =	vld [tilespmem:s2+$0x8350]  }
0x54: {  	v16 =	vld [tilespmem:s2+$0x300]  }
0x55: {  	v18 =	vld [tilespmem:s2+$0x8300]  }
0x56: {  	v17 =	vld [tilespmem:s2+$0x310]  }
0x57: {  	v19 =	vld [tilespmem:s2+$0x8310]  }
0x58: {  	v20 =	vld [tilespmem:s2+$0x320]  }
0x59: {  	v21 =	vld [tilespmem:s2+$0x8320]  }
0x5a: {  	s31 =	simm.s32 $0x200;
	v22 =	vld [tilespmem:s2+$0x330]  }
.LBB2_2:
0x5b: {  	p0 =	sne.s32 s31, $0xFE00;
	v23 =	vld [tilespmem:s2+$0x8330]  }
0x5c: {  	v8 =	vadd.f32 v10, v8;
	v24 =	vld [tilespmem:s2+$0x4320]  }
0x5d: {  	v12 =	vadd.f32 v14, v12;
	v14 =	vadd.f32 v11, v9;
	v10 =	vld [tilespmem:s2+$0x4330]  }
0x5e: {  	s3 =	sshra.s32 s31, $0x2;
	v9 =	vadd.f32 v18, v16;
	v11 =	vadd.f32 v15, v13;
	v13 =	vld [tilespmem:s2+$0x4350]  }
0x5f: {  	v16 =	vadd.f32 v19, v17;
	v17 =	vadd.f32 v21, v20;
	v15 =	vld [tilespmem:s3+$0x4360]  }
0x60: {  	v19 =	vsub.f32 v8, v5;
	v18 =	vadd.f32 v23, v22;
	v20 =	vld [tilespmem:s2+$0x4370]  }
0x61: {  	v22 =	vsub.f32 v9, v6;
	v6 =	vsub.f32 v16, v7;
	v21 =	vld [tilespmem:s3+$0x4340]  }
0x62: {  	v7 =	vsub.f32 v17, v24;
	v8 =	vld [tilespmem:s3+$0x360];
	v16 =	vsub.f32 v18, v10  }
0x63: {  	v17 =	vand.u32 $0x7FFFFFFF, v22;
	v18 =	vsub.f32 v12, v4;
	v10 =	vld [tilespmem:s3+$0x8360];
	v12 =	vsub.f32 v11, v13  }
0x64: {  	v6 =	vand.u32 $0x7FFFFFFF, v6;
	v7 =	vand.u32 $0x7FFFFFFF, v7;
	v9 =	vld [tilespmem:s3+$0x370];
	v13 =	vand.u32 $0x7FFFFFFF, v16;
	v5 =	vmovc v15  }
0x65: {  	v15 =	vadd.f32 v6, v17;
	v11 =	vld [tilespmem:s3+$0x8370];
	v13 =	vadd.f32 v13, v7  }
0x66: {  	v16 =	vand.u32 $0x7FFFFFFF, v18;
	v12 =	vand.u32 $0x7FFFFFFF, v12;
	v14 =	vsub.f32 v14, v20;
	v6 =	vld [tilespmem:s3+$0x4300];
	v4 =	vmovc v21  }
0x67: {  	v7 =	vld [tilespmem:s3+$0x4310];
	v13 =	vadd.f32 v13, v15;
	v15 =	vadd.f32 v12, v16  }
0x68: {  	v16 =	vand.u32 $0x7FFFFFFF, v19;
	v17 =	vand.u32 $0x7FFFFFFF, v14;
	v12 =	vld [tilespmem:s3+$0x340]  }
0x69: {  	v16 =	vadd.f32 v17, v16;
	v14 =	vld [tilespmem:s3+$0x8340];
	v18 =	vadd.f32 v15, v13  }
0x6a: {  	v13 =	vld [tilespmem:s3+$0x350]  }
0x6b: {  	v15 =	vld [tilespmem:s3+$0x8350];
	v17 =	vadd.f32 v16, v18  }
0x6c: {  	v16 =	vld [tilespmem:s3+$0x300]  }
0x6d: {  	v18 =	vld [tilespmem:s3+$0x8300];
	[tilespmem:s2+$0x18300] =	vst v17;
	s2 =	smov.u32 s3  }
.Ltmp0:
0x6e: {  	v17 =	vld [tilespmem:s2+$0x310];
	(pc) =	sbr.rel @p0 .LBB2_2-.Ltmp0, $4  }
0x6f: {  	v19 =	vld [tilespmem:s2+$0x8310]  }
0x70: {  	v20 =	vld [tilespmem:s2+$0x320]  }
0x71: {  	v21 =	vld [tilespmem:s2+$0x8320]  }
0x72: {  	s31 =	sadd.s32 $0x200, s31;
	v22 =	vld [tilespmem:s2+$0x330]  }
0x73: {  	v23 =	vld [tilespmem:s2+$0x8330]  }
0x74: {  	v24 =	vld [tilespmem:s2+$0x4320];
	v8 =	vadd.f32 v10, v8  }
0x75: {  	v10 =	vld [tilespmem:s2+$0x4330];
	v12 =	vadd.f32 v14, v12;
	v9 =	vadd.f32 v11, v9  }
0x76: {  	v11 =	vadd.f32 v18, v16;
	v13 =	vadd.f32 v15, v13;
	v14 =	vld [tilespmem:s2+$0x4350]  }
0x77: {  	v15 =	vadd.f32 v19, v17;
	v5 =	vsub.f32 v8, v5  }
0x78: {  	v16 =	vadd.f32 v21, v20;
	v17 =	vadd.f32 v23, v22  }
0x79: {  	v8 =	vld [tilespmem:s2+$0x4370];
	v6 =	vsub.f32 v11, v6;
	v7 =	vsub.f32 v15, v7  }
0x7a: {  	v11 =	vsub.f32 v16, v24;
	v10 =	vsub.f32 v17, v10  }
0x7b: {  	v4 =	vsub.f32 v12, v4;
	v6 =	vand.u32 $0x7FFFFFFF, v6;
	v12 =	vsub.f32 v13, v14  }
0x7c: {  	v7 =	vand.u32 $0x7FFFFFFF, v7;
	v11 =	vand.u32 $0x7FFFFFFF, v11;
	v10 =	vand.u32 $0x7FFFFFFF, v10  }
0x7d: {  	v6 =	vadd.f32 v7, v6;
	v7 =	vadd.f32 v10, v11  }
0x7e: {  	v4 =	vand.u32 $0x7FFFFFFF, v4;
	v8 =	vsub.f32 v9, v8;
	v10 =	vand.u32 $0x7FFFFFFF, v12  }
0x7f: {  	v4 =	vadd.f32 v10, v4;
	v6 =	vadd.f32 v7, v6  }
0x80: {  	v5 =	vand.u32 $0x7FFFFFFF, v5;
	v7 =	vand.u32 $0x7FFFFFFF, v8  }
0x81: {  	v5 =	vadd.f32 v7, v5;
	v4 =	vadd.f32 v4, v6;
	_ =	sdelay $0x1  }
0x82: {  	v4 =	vadd.f32 v5, v4;
	_ =	sdelay $0x1  }
0x83: {  	[tilespmem:s2+$0x18300] =	vst v4  }
0x84: {  	_ =	swait.ge [sflag:s26], $0x4000  }
0x85: {  	[sflag:s26] =	ssyncset.done $0x0  }
0x86: {  	[sflag:s26] =	ssyncadd.s32 $0xFFFFC000  }
0x87: {  	_ =	swait.ge [sflag:s26], $0x4000  }
0x88: {  	[sflag:s26] =	ssyncset.done $0x0  }
0x89: {  	[sflag:s26] =	ssyncadd.s32 $0xFFFFC000  }
0x8a: {  	_ =	swait.ge [sflag:s26], $0x4000  }
0x8b: {  	[sflag:s26] =	ssyncset.done $0x0  }
0x8c: {  	s31 =	simm.s32 $0x0;
	[sflag:s26] =	ssyncadd.s32 $0xFFFFC000  }
0x8d: {  	v4 =	vld [tilespmem:s31+$0x10360]  }
0x8e: {  	v7 =	vld [tilespmem:s31+$0x10370]  }
0x8f: {  	v8 =	vld [tilespmem:s31+$0x103E0]  }
0x90: {  	v9 =	vld [tilespmem:s31+$0x103F0]  }
0x91: {  	v5 =	vld [tilespmem:s31+$0x10340]  }
0x92: {  	v6 =	vld [tilespmem:s31+$0x10350]  }
0x93: {  	v10 =	vld [tilespmem:s31+$0xC360]  }
0x94: {  	v11 =	vld [tilespmem:s31+$0x14360]  }
0x95: {  	v12 =	vld [tilespmem:s31+$0xC370]  }
0x96: {  	v13 =	vld [tilespmem:s31+$0x14370]  }
0x97: {  	v29 =	vld [tilespmem:s31+$0x103C0]  }
0x98: {  	v34 =	vld [tilespmem:s31+$0x103D0]  }
0x99: {  	v14 =	vld [tilespmem:s31+$0xC3E0]  }
0x9a: {  	v15 =	vld [tilespmem:s31+$0x143E0]  }
0x9b: {  	v16 =	vld [tilespmem:s31+$0xC3F0]  }
0x9c: {  	v17 =	vld [tilespmem:s31+$0x143F0]  }
0x9d: {  	v18 =	vld [tilespmem:s31+$0xC340]  }
0x9e: {  	v19 =	vld [tilespmem:s31+$0x14340]  }
0x9f: {  	v20 =	vld [tilespmem:s31+$0xC350]  }
0xa0: {  	v21 =	vld [tilespmem:s31+$0x14350]  }
0xa1: {  	v22 =	vld [tilespmem:s31+$0xC3C0]  }
0xa2: {  	v23 =	vld [tilespmem:s31+$0x143C0]  }
0xa3: {  	v24 =	vld [tilespmem:s31+$0xC3D0]  }
0xa4: {  	v25 =	vld [tilespmem:s31+$0x143D0]  }
0xa5: {  	v26 =	vld [tilespmem:s31+$0xC300]  }
0xa6: {  	v30 =	vld [tilespmem:s31+$0x14300]  }
0xa7: {  	v31 =	vld [tilespmem:s31+$0xC310]  }
0xa8: {  	v32 =	vld [tilespmem:s31+$0x14310]  }
0xa9: {  	v33 =	vld [tilespmem:s31+$0xC320]  }
0xaa: {  	v35 =	vld [tilespmem:s31+$0x14320]  }
0xab: {  	v27 =	vld [tilespmem:s31+$0xC380]  }
0xac: {  	v28 =	vld [tilespmem:s31+$0x14380]  }
0xad: {  	v36 =	vld [tilespmem:s31+$0xC390]  }
0xae: {  	v37 =	vld [tilespmem:s31+$0x14390]  }
0xaf: {  	v38 =	vld [tilespmem:s31+$0xC3A0]  }
0xb0: {  	v39 =	vld [tilespmem:s31+$0x143A0]  }
0xb1: {  	v40 =	vld [tilespmem:s31+$0xC3B0]  }
0xb2: {  	v42 =	vld [tilespmem:s31+$0x143B0];
	v41 =	vadd.f32 v15, v14;
	v43 =	vadd.f32 v17, v16  }
0xb3: {  	v11 =	vadd.f32 v11, v10;
	v10 =	vld [tilespmem:s31+$0xC330];
	v44 =	vadd.f32 v23, v22  }
0xb4: {  	v45 =	vadd.f32 v13, v12;
	v12 =	vld [tilespmem:s31+$0x14330];
	v46 =	vadd.f32 v25, v24  }
0xb5: {  	v13 =	vld [tilespmem:s31+$0x10300];
	v15 =	vadd.f32 v19, v18;
	v16 =	vadd.f32 v21, v20  }
0xb6: {  	v14 =	vld [tilespmem:s31+$0x10310];
	v17 =	vadd.f32 v28, v27;
	v18 =	vadd.f32 v37, v36  }
0xb7: {  	v27 =	vld [tilespmem:s31+$0x10380];
	v19 =	vadd.f32 v39, v38;
	v20 =	vadd.f32 v42, v40  }
0xb8: {  	v28 =	vld [tilespmem:s31+$0x10390];
	v21 =	vadd.f32 v30, v26;
	v22 =	vadd.f32 v32, v31  }
0xb9: {  	v30 =	vld [tilespmem:s31+$0x103A0];
	v25 =	vadd.f32 v35, v33;
	v23 =	vsub.f32 v41, v8  }
0xba: {  	v31 =	vld [tilespmem:s31+$0x103B0];
	v24 =	vsub.f32 v43, v9;
	v32 =	vsub.f32 v44, v29  }
0xbb: {  	v33 =	vld [tilespmem:s31+$0x10330];
	v29 =	vsub.f32 v46, v34;
	v26 =	vadd.f32 v12, v10  }
0xbc: {  	s2 =	simm.s32 $0x400;
	v10 =	vld [tilespmem:s31+$0x10320];
	v12 =	vsub.f32 v11, v4;
	v11 =	vsub.f32 v45, v7;
	v4 =	vimm.f32 $0.0e+00  }
.LBB2_4:
0xbd: {  	p0 =	sne.s32 s2, $0xFC00;
	v34 =	vld [tilespmem:s31+$0x18300];
	v15 =	vsub.f32 v15, v5;
	v16 =	vsub.f32 v16, v6  }
0xbe: {  	v6 =	vsub.f32 v17, v27;
	v17 =	vsub.f32 v18, v28;
	v35 =	vld [tilespmem:s31+$0x18380];
	s31 =	sshra.s32 s2, $0x2  }
0xbf: {  	v18 =	vsub.f32 v19, v30;
	v7 =	vld [tilespmem:s31+$0x10360];
	v19 =	vsub.f32 v20, v31  }
0xc0: {  	v13 =	vsub.f32 v21, v13;
	v14 =	vsub.f32 v22, v14;
	v8 =	vld [tilespmem:s31+$0x10370]  }
0xc1: {  	v20 =	vsub.f32 v25, v10;
	v9 =	vld [tilespmem:s31+$0x103E0];
	v21 =	vsub.f32 v26, v33  }
0xc2: {  	v23 =	vand.u32 $0x7FFFFFFF, v23;
	v24 =	vand.u32 $0x7FFFFFFF, v24;
	v22 =	vand.u32 $0x7FFFFFFF, v32;
	v10 =	vld [tilespmem:s31+$0x103F0]  }
0xc3: {  	v15 =	vand.u32 $0x7FFFFFFF, v15;
	v25 =	vand.u32 $0x7FFFFFFF, v6;
	v26 =	vand.u32 $0x7FFFFFFF, v29;
	v5 =	vld [tilespmem:s31+$0x10340]  }
0xc4: {  	v17 =	vand.u32 $0x7FFFFFFF, v17;
	v18 =	vand.u32 $0x7FFFFFFF, v18;
	v19 =	vand.u32 $0x7FFFFFFF, v19;
	v6 =	vld [tilespmem:s31+$0x10350]  }
0xc5: {  	v13 =	vand.u32 $0x7FFFFFFF, v13;
	v14 =	vand.u32 $0x7FFFFFFF, v14;
	v20 =	vand.u32 $0x7FFFFFFF, v20;
	v27 =	vld [tilespmem:s31+$0xC360]  }
0xc6: {  	v17 =	vadd.f32 v17, v25;
	v18 =	vadd.f32 v19, v18;
	v19 =	vand.u32 $0x7FFFFFFF, v21;
	v28 =	vld [tilespmem:s31+$0x14360]  }
0xc7: {  	v16 =	vand.u32 $0x7FFFFFFF, v16;
	v13 =	vadd.f32 v14, v13;
	v14 =	vadd.f32 v19, v20;
	v21 =	vld [tilespmem:s31+$0xC370]  }
0xc8: {  	v12 =	vand.u32 $0x7FFFFFFF, v12;
	v15 =	vadd.f32 v16, v15;
	v20 =	vadd.f32 v26, v22;
	v19 =	vld [tilespmem:s31+$0x14370]  }
0xc9: {  	v11 =	vand.u32 $0x7FFFFFFF, v11;
	v16 =	vadd.f32 v18, v17;
	v13 =	vadd.f32 v14, v13;
	v29 =	vld [tilespmem:s31+$0x103C0]  }
0xca: {  	v11 =	vadd.f32 v11, v12;
	v14 =	vadd.f32 v24, v23;
	v36 =	vld [tilespmem:s31+$0x103D0]  }
0xcb: {  	v16 =	vadd.f32 v20, v16;
	v13 =	vadd.f32 v15, v13;
	v12 =	vld [tilespmem:s31+$0xC3E0]  }
0xcc: {  	v15 =	vld [tilespmem:s31+$0x143E0]  }
0xcd: {  	v14 =	vadd.f32 v14, v16;
	v11 =	vadd.f32 v11, v13;
	v17 =	vld [tilespmem:s31+$0xC3F0]  }
0xce: {  	v13 =	vld [tilespmem:s31+$0x143F0]  }
0xcf: {  	v14 =	vsub.f32 v35, v14;
	v11 =	vsub.f32 v34, v11;
	v16 =	vld [tilespmem:s31+$0xC340]  }
0xd0: {  	v18 =	vld [tilespmem:s31+$0x14340]  }
0xd1: {  	v23 =	vperm.xlane v14, v0;
	v22 =	vperm.xlane v11, v0;
	v20 =	vld [tilespmem:s31+$0xC350]  }
0xd2: {  	v24 =	vld [tilespmem:s31+$0x14350]  }
0xd3: {  	v14 =	vadd.f32 v23, v14;
	v11 =	vadd.f32 v22, v11;
	v25 =	vld [tilespmem:s31+$0xC3C0]  }
0xd4: {  	v22 =	vld [tilespmem:s31+$0x143C0]  }
0xd5: {  	v11 =	vsel vm0, v11, v14;
	v23 =	vld [tilespmem:s31+$0xC3D0]  }
0xd6: {  	v26 =	vperm.xlane v11, v1;
	v14 =	vld [tilespmem:s31+$0x143D0]  }
0xd7: {  	v30 =	vld [tilespmem:s31+$0xC300]  }
0xd8: {  	v11 =	vadd.f32 v11, v26;
	v31 =	vld [tilespmem:s31+$0x14300]  }
0xd9: {  	v26 =	vld [tilespmem:s31+$0xC310]  }
0xda: {  	v33 =	vperm.xlane v11, v2;
	v32 =	vld [tilespmem:s31+$0x14310]  }
0xdb: {  	v34 =	vld [tilespmem:s31+$0xC320]  }
0xdc: {  	v11 =	vadd.f32 v11, v33;
	v35 =	vld [tilespmem:s31+$0x14320]  }
0xdd: {  	v33 =	vld [tilespmem:s31+$0xC380]  }
0xde: {  	v38 =	vperm.xlane v11, v3;
	v37 =	vld [tilespmem:s31+$0x14380]  }
0xdf: {  	v39 =	vld [tilespmem:s31+$0xC390]  }
0xe0: {  	v11 =	vadd.f32 v11, v38;
	v40 =	vld [tilespmem:s31+$0x14390]  }
0xe1: {  	v38 =	vld [tilespmem:s31+$0xC3A0]  }
0xe2: {  	v11 =	vadd.f32 $2.000000000e+00, v11;
	v41 =	vld [tilespmem:s31+$0x143A0]  }
0xe3: {  	v12 =	vadd.f32 v15, v12;
	v42 =	vld [tilespmem:s31+$0xC3B0]  }
0xe4: {  	v45 =	vadd.f32 v28, v27;
	v44 =	vadd.f32 v13, v17;
	v11 =	vmax.f32 v11, $0.0e+00;
	v43 =	vld [tilespmem:s31+$0x143B0]  }
0xe5: {  	v48 =	vadd.f32 v19, v21;
	v47 =	vadd.f32 v22, v25;
	v11 =	vnsel vm1, $0x0, v11;
	v46 =	vld [tilespmem:s31+$0xC330]  }
0xe6: {  	v50 =	vadd.f32 v14, v23;
	v4 =	vadd.f32 v11, v4;
	v49 =	vld [tilespmem:s31+$0x14330]  }
0xe7: {  	v15 =	vadd.f32 v18, v16;
	v16 =	vadd.f32 v24, v20;
	v13 =	vld [tilespmem:s31+$0x10300]  }
0xe8: {  	v17 =	vadd.f32 v37, v33;
	v18 =	vadd.f32 v40, v39;
	v14 =	vld [tilespmem:s31+$0x10310]  }
0xe9: {  	v19 =	vadd.f32 v41, v38;
	v27 =	vld [tilespmem:s31+$0x10380];
	v20 =	vadd.f32 v43, v42  }
.Ltmp1:
0xea: {  	v21 =	vadd.f32 v31, v30;
	v22 =	vadd.f32 v32, v26;
	v28 =	vld [tilespmem:s31+$0x10390];
	(pc) =	sbr.rel @p0 .LBB2_4-.Ltmp1, $4  }
0xeb: {  	v25 =	vadd.f32 v35, v34;
	v30 =	vld [tilespmem:s31+$0x103A0];
	v26 =	vadd.f32 v49, v46  }
0xec: {  	v24 =	vsub.f32 v44, v10;
	v23 =	vsub.f32 v12, v9;
	v31 =	vld [tilespmem:s31+$0x103B0]  }
0xed: {  	v12 =	vsub.f32 v45, v7;
	v11 =	vsub.f32 v48, v8;
	v10 =	vld [tilespmem:s31+$0x10320]  }
0xee: {  	s2 =	sadd.s32 $0x400, s2;
	v32 =	vsub.f32 v47, v29;
	v29 =	vsub.f32 v50, v36;
	v33 =	vld [tilespmem:s31+$0x10330]  }
0xef: {  	v5 =	vsub.f32 v15, v5;
	v6 =	vsub.f32 v16, v6  }
0xf0: {  	v7 =	vsub.f32 v17, v27;
	v8 =	vsub.f32 v18, v28  }
0xf1: {  	v13 =	vsub.f32 v21, v13;
	v14 =	vsub.f32 v22, v14;
	v49 =	vand.u32 $0x7FFFFFFF, v23  }
0xf2: {  	v50 =	vand.u32 $0x7FFFFFFF, v24;
	v9 =	vsub.f32 v19, v30;
	v48 =	vand.u32 $0x7FFFFFFF, v32  }
0xf3: {  	v51 =	vand.u32 $0x7FFFFFFF, v29;
	v46 =	vsub.f32 v20, v31;
	v7 =	vand.u32 $0x7FFFFFFF, v7  }
0xf4: {  	v5 =	vand.u32 $0x7FFFFFFF, v5;
	v8 =	vand.u32 $0x7FFFFFFF, v8;
	v13 =	vand.u32 $0x7FFFFFFF, v13  }
0xf5: {  	v14 =	vand.u32 $0x7FFFFFFF, v14;
	v10 =	vsub.f32 v25, v10;
	v47 =	vsub.f32 v26, v33  }
0xf6: {  	v9 =	vand.u32 $0x7FFFFFFF, v9;
	v7 =	vadd.f32 v8, v7;
	v13 =	vadd.f32 v14, v13  }
0xf7: {  	v15 =	vand.u32 $0x7FFFFFFF, v46;
	v10 =	vand.u32 $0x7FFFFFFF, v10;
	v53 =	vand.u32 $0x7FFFFFFF, v47  }
0xf8: {  	v6 =	vand.u32 $0x7FFFFFFF, v6;
	v52 =	vadd.f32 v15, v9;
	v9 =	vadd.f32 v53, v10  }
0xf9: {  	v55 =	vand.u32 $0x7FFFFFFF, v12;
	v54 =	vadd.f32 v51, v48;
	v5 =	vadd.f32 v6, v5  }
0xfa: {  	v56 =	vld [tilespmem:s31+$0x18300];
	v58 =	vand.u32 $0x7FFFFFFF, v11;
	v7 =	vadd.f32 v52, v7;
	v57 =	vadd.f32 v9, v13  }
0xfb: {  	v59 =	vld [tilespmem:s31+$0x18380];
	v60 =	vadd.f32 v50, v49;
	v6 =	vadd.f32 v58, v55  }
0xfc: {  	v7 =	vadd.f32 v54, v7;
	v5 =	vadd.f32 v5, v57;
	_ =	sdelay $0x1  }
0xfd: {  	v7 =	vadd.f32 v60, v7;
	v5 =	vadd.f32 v6, v5;
	_ =	sdelay $0x1  }
0xfe: {  	v61 =	vsub.f32 v59, v7;
	v5 =	vsub.f32 v56, v5;
	_ =	sdelay $0x1  }
0xff: {  	v63 =	vperm.xlane v61, v0;
	v62 =	vperm.xlane v5, v0;
	_ =	sdelay $0x1  }
0x100: {  	v6 =	vadd.f32 v63, v61;
	v5 =	vadd.f32 v62, v5;
	_ =	sdelay $0x1  }
0x101: {  	v5 =	vsel vm0, v5, v6  }
0x102: {  	v6 =	vperm.xlane v5, v1;
	_ =	sdelay $0x1  }
0x103: {  	v5 =	vadd.f32 v5, v6;
	_ =	sdelay $0x1  }
0x104: {  	v6 =	vperm.xlane v5, v2;
	_ =	sdelay $0x1  }
0x105: {  	v5 =	vadd.f32 v5, v6;
	_ =	sdelay $0x1  }
0x106: {  	v6 =	vperm.xlane v5, v3;
	_ =	sdelay $0x1  }
0x107: {  	v5 =	vadd.f32 v5, v6;
	_ =	sdelay $0x1  }
0x108: {  	v5 =	vadd.f32 $2.000000000e+00, v5;
	_ =	sdelay $0x1  }
0x109: {  	v5 =	vmax.f32 v5, $0.0e+00  }
0x10a: {  	v5 =	vnsel vm1, $0x0, v5  }
0x10b: {  	s30 =	sadd.s32 $0x1, s30;
	v4 =	vadd.f32 v5, v4  }
0x10c: {  	p0 =	sne.s32 s30, s12  }
.Ltmp2:
0x10d: {  	[tilespmem:$0x1C300] =	vst v4;
	(pc) =	sbr.rel @p0 .LBB2_1-.Ltmp2, $4  }
0x10e: {  	[hbm4b:s11+s4] =	stream.linear.scatter [tilespmem:s28], [sflag:$0x4], $0x10, $0x38;
	[tilespmem:$0x1C380] =	vst v63  }
0x10f: {  	_ =	swait.ge [sflag:s29], $0x10  }
0x110: {  	[sflag:s29] =	ssyncset.done $0x0  }
0x111: {  	[sflag:s29] =	ssyncadd.s32 $0xFFFFFFF0  }
0x112: {  	_ =	sfence.sel $0x180000  }
0x113: {  	[bflag:$0x0] =	sbarrier.arrive $0xFFFF  }
0x114: {  	_ =	strace $0x90000047  }
0x115: {  	s0 =	stileid.u32;
	[bflag:$0x2] =	sbarrier.arrive $0xFFFF  }
0x116: {  	p0 =	sne.s32 s0, $0x0;
	s0 =	rddreg [dreg:$0x9]  }
0x117: {  	s0 =	sadd.s32 @!p0 $0x100000, s0  }
0x118: {  	[sflag:s0] =	ssyncadd.tile.s32 @!p0 $0x1;
	_ =	shalt  }
.Lfunc_end2:
_tile_overlayer_lowered:
.L_overlay_start_2:
0x119: {  	(tag) =	ssettag $0x2  }
0x11a: {  	s0 =	rddreg [dreg:$0x0];
	s2 =	stileid.u32  }
0x11b: {  	s1 =	rddreg [dreg:$0x1];
	p0 =	sne.s32 s2, $0x0  }
0x11c: {  	s3 =	rddreg [dreg:$0x2];
	[bflag:$0x3] =	sbarrier.arrive $0xFFFF;
	s2 =	simm.s32 @!p0 $0x1C04  }
0x11d: {  	[timem:s3], [sflag:s2] =	dma.local @!p0 [hbm:s0], s1  }
0x11e: {  	s0 =	simm.s32 @!p0 $0x4  }
0x11f: {  	_ =	swait.ge @!p0 [sflag:s0], s1  }
0x120: {  	s1 =	ssub.s32 @!p0 $0x0, s1;
	[sflag:s0] =	ssyncset.done @!p0 $0x0  }
0x121: {  	[sflag:s0] =	ssyncadd.s32 @!p0 s1  }
0x122: {  	[bflag:$0x3] =	sbarrier.arrive $0xFFFF  }
0x123: {  	_ =	shalt  }

</sc_bundles>
